<compile_context>
chip_gen: v7x
topology: tpu7x:2x2x1
jax: 0.10.2.dev20260603
libtpu: 0.0.44.dev20260713+nightly
codegen_flags: <defaults>
</compile_context>

<pallas_src>
import jax
import jax.numpy as jnp
import numpy as np
from jax import lax
from jax.experimental import pallas as pl
from jax.experimental.pallas import tpu as pltpu
from jax.experimental.pallas import tpu_sc as plsc

N = 32768
NSEG = 128
NTILES = 16
CHUNK = N // NTILES
VECS = CHUNK // 16
UNROLL = 4
NSTAT = 6
NGRP = NSEG // 16
LSTRIDE = NSEG + 1
ACC = 16 * LSTRIDE

_ZEROS_NP = np.zeros((NSTAT * ACC,), np.float32)


def _tree_sum(vs):
    vs = list(vs)
    while len(vs) > 1:
        nxt = [vs[i] + vs[i + 1] for i in range(0, len(vs) - 1, 2)]
        if len(vs) % 2:
            nxt.append(vs[-1])
        vs = nxt
    return vs[0]


def _newton_sqrt(d):
    i = plsc.bitcast(d, jnp.int32)
    i = (i >> 1) + jnp.full((16,), 0x1FBD1DF6, jnp.int32)
    y = plsc.bitcast(i, jnp.float32)
    half = jnp.full((16,), 0.5, jnp.float32)
    for _ in range(3):
        y = half * (y + d / y)
    return y


def _body(true_hbm, pred_hbm, loc_hbm, zeros_hbm, out_hbm,
          t_v, p_v, s_v, acc, part, red8, red, out_v, shared,
          sem0, sem1, sem2, sem3):
    wid = lax.axis_index("s")
    base = wid * CHUNK
    c0 = pltpu.async_copy(true_hbm.at[pl.ds(base, CHUNK)], t_v, sem0)
    c1 = pltpu.async_copy(pred_hbm.at[pl.ds(base, CHUNK)], p_v, sem1)
    c2 = pltpu.async_copy(loc_hbm.at[pl.ds(base, CHUNK)], s_v, sem2)
    c3 = pltpu.async_copy(zeros_hbm, acc, sem3)
    c0.wait(); c1.wait(); c2.wait(); c3.wait()

    zeros = jnp.zeros((16,), jnp.float32)
    ones = jnp.full((16,), 1.0, jnp.float32)
    lane = lax.iota(jnp.int32, 16) * LSTRIDE

    def scat_body(i, _):
        for u in range(UNROLL):
            b = (i * UNROLL + u) * 16
            seg = s_v[pl.ds(b, 16)]
            t = t_v[pl.ds(b, 16)]
            p = p_v[pl.ds(b, 16)]
            idx = lane + seg
            plsc.addupdate_scatter(acc, [idx], ones)
            plsc.addupdate_scatter(acc, [idx + ACC], t)
            plsc.addupdate_scatter(acc, [idx + 2 * ACC], p)
            plsc.addupdate_scatter(acc, [idx + 3 * ACC], t * t)
            plsc.addupdate_scatter(acc, [idx + 4 * ACC], p * p)
            plsc.addupdate_scatter(acc, [idx + 5 * ACC], t * p)
        return 0
    lax.fori_loop(0, VECS // UNROLL, scat_body, 0)

    def fold_body(pair, _):
        k = pair // NGRP
        g = pair % NGRP
        v = _tree_sum(acc[pl.ds(k * ACC + l * LSTRIDE + g * 16, 16)]
                      for l in range(16))
        part[pl.ds(k * NSEG + g * 16, 16)] = v
        return 0
    lax.fori_loop(0, NSTAT * NGRP, fold_body, 0)

    pltpu.sync_copy(part, shared.at[wid])
    plsc.subcore_barrier()

    @pl.when(wid < NTILES // 2)
    def _():
        pltpu.sync_copy(shared.at[wid + NTILES // 2], red8)

        def add_body(i, _):
            part[pl.ds(i * 16, 16)] = (part[pl.ds(i * 16, 16)]
                                       + red8[pl.ds(i * 16, 16)])
            return 0
        lax.fori_loop(0, NSTAT * NSEG // 16, add_body, 0)
        pltpu.sync_copy(part, shared.at[wid])
    plsc.subcore_barrier()

    @pl.when(wid == 0)
    def _():
        pltpu.sync_copy(shared.at[pl.ds(0, NTILES // 2)], red)

        def grp_combine(g, total):
            def tile_body(w, carry):
                return tuple(
                    carry[k] + red[w, pl.ds(k * NSEG + g * 16, 16)]
                    for k in range(NSTAT))
            stats = lax.fori_loop(0, NTILES // 2, tile_body,
                                  (zeros,) * NSTAT)
            cnt, st, sp, stt, spp, stp = stats
            present = cnt > zeros
            n = jnp.maximum(cnt, ones)
            sxy = stp - st * sp / n
            sx2 = jnp.maximum(stt - st * st / n, zeros)
            sy2 = jnp.maximum(spp - sp * sp / n, zeros)
            mse = (stt - 2.0 * stp + spp) / n
            d = jnp.where(present, sx2 * sy2, ones)
            r = _newton_sqrt(d)
            pcc = sxy / (r + jnp.full((16,), 1e-7, jnp.float32))
            return total + jnp.where(present, mse * (ones - pcc), zeros)

        total = lax.fori_loop(0, NGRP, grp_combine, zeros)
        s = jnp.sum(total)
        out_v[...] = ones * s
        pltpu.sync_copy(out_v, out_hbm)


@jax.jit
def _launch(true, predicted, loc_no):
    mesh = plsc.VectorSubcoreMesh(
        core_axis_name="c", subcore_axis_name="s", num_cores=1)
    k = pl.kernel(
        _body,
        out_type=jax.ShapeDtypeStruct((16,), jnp.float32),
        mesh=mesh,
        compiler_params=pltpu.CompilerParams(needs_layout_passes=False),
        scratch_types=[
            pltpu.VMEM((CHUNK,), jnp.float32),
            pltpu.VMEM((CHUNK,), jnp.float32),
            pltpu.VMEM((CHUNK,), jnp.int32),
            pltpu.VMEM((NSTAT * ACC,), jnp.float32),
            pltpu.VMEM((NSTAT * NSEG,), jnp.float32),
            pltpu.VMEM((NSTAT * NSEG,), jnp.float32),
            pltpu.VMEM((NTILES // 2, NSTAT * NSEG), jnp.float32),
            pltpu.VMEM((16,), jnp.float32),
            pltpu.VMEM_SHARED((NTILES, NSTAT * NSEG), jnp.float32),
            pltpu.SemaphoreType.DMA,
            pltpu.SemaphoreType.DMA,
            pltpu.SemaphoreType.DMA,
            pltpu.SemaphoreType.DMA,
        ],
    )
    return k(true, predicted, loc_no, jnp.asarray(_ZEROS_NP))


def kernel(true, predicted, loc_no):
    return _launch(true, predicted, loc_no)[0]

# --- scband reference (transcript-rebuilt; emitter-appended) ---
"""Pipeline reference for scband-mse-pcc-weight-loss-6253472382991 (READ-ONLY COPY).

The authoritative reference and input builder live on the scoring server;
editing this copy changes nothing except your own understanding.
"""

import jax, jax.numpy as jnp
import numpy as np

N = 32768
NUM_SEG = 128

def setup_inputs(seed: int = 0) -> dict:
    key = jax.random.key(seed)
    k1, k2, k3 = jax.random.split(key, 3)
    true = jax.random.normal(k1, (N,), dtype=jnp.float32)
    predicted = jax.random.normal(k2, (N,), dtype=jnp.float32)
    loc_no = jnp.sort(jax.random.randint(k3, (N,), 0, NUM_SEG, dtype=jnp.int32))
    return {"true": true, "predicted": predicted, "loc_no": loc_no}

def reference(true, predicted, loc_no):
    seg = loc_no
    ones = jnp.ones_like(true)
    counts = jax.ops.segment_sum(ones, seg, num_segments=NUM_SEG)
    present = counts > 0
    safe_counts = jnp.maximum(counts, 1.0)
    # per-segment means (torch.mean over boolean-masked slice)
    mean_t = jax.ops.segment_sum(true, seg, num_segments=NUM_SEG) / safe_counts
    mean_p = jax.ops.segment_sum(predicted, seg, num_segments=NUM_SEG) / safe_counts
    vx = true - mean_t[seg]
    vy = predicted - mean_p[seg]
    sxy = jax.ops.segment_sum(vx * vy, seg, num_segments=NUM_SEG)
    sx2 = jax.ops.segment_sum(vx * vx, seg, num_segments=NUM_SEG)
    sy2 = jax.ops.segment_sum(vy * vy, seg, num_segments=NUM_SEG)
    # guard sqrt(0) for absent segments (they are masked out anyway)
    sx2s = jnp.where(present, sx2, 1.0)
    sy2s = jnp.where(present, sy2, 1.0)
    pcc = sxy / (jnp.sqrt(sx2s) * jnp.sqrt(sy2s) + 1e-07)
    pcc_imp = 1.0 - pcc
    # F.mse_loss(partial_target, partial_predicted) = mean squared diff within segment
    mse = jax.ops.segment_sum((true - predicted) ** 2, seg, num_segments=NUM_SEG) / safe_counts
    total_cost = jnp.sum(jnp.where(present, mse * pcc_imp, 0.0))
    return total_cost

if __name__ == "__main__":
    import jax
    _d = setup_inputs()
    print(jax.jit(kernel)(*tuple(_d.values())))

</pallas_src>

<mosaic_0001>
#map = affine_map<(d0, d1) -> (0)>
module attributes {stable_mosaic.version = 14 : i64} {
  func.func @_body(%arg0: i32, %arg1: i32, %arg2: memref<32768xf32, #tpu.memory_space<hbm>>, %arg3: memref<32768xf32, #tpu.memory_space<hbm>>, %arg4: memref<32768xi32, #tpu.memory_space<hbm>>, %arg5: memref<12384xf32, #tpu.memory_space<hbm>>, %arg6: memref<16xf32, #tpu.memory_space<hbm>>, %arg7: memref<2048xf32, #tpu.memory_space<vmem>>, %arg8: memref<2048xf32, #tpu.memory_space<vmem>>, %arg9: memref<2048xi32, #tpu.memory_space<vmem>>, %arg10: memref<12384xf32, #tpu.memory_space<vmem>>, %arg11: memref<768xf32, #tpu.memory_space<vmem>>, %arg12: memref<768xf32, #tpu.memory_space<vmem>>, %arg13: memref<8x768xf32, #tpu.memory_space<vmem>>, %arg14: memref<16xf32, #tpu.memory_space<vmem>>, %arg15: memref<16x768xf32, #tpu.memory_space<vmem_shared>>, %arg16: memref<!tpu.dma_semaphore, #tpu.memory_space<semaphore_mem>>, %arg17: memref<!tpu.dma_semaphore, #tpu.memory_space<semaphore_mem>>, %arg18: memref<!tpu.dma_semaphore, #tpu.memory_space<semaphore_mem>>, %arg19: memref<!tpu.dma_semaphore, #tpu.memory_space<semaphore_mem>>) attributes {dimension_semantics = [#tpu.dimension_semantics<core_parallel>, #tpu.dimension_semantics<subcore_parallel>], iteration_bounds = array<i64: 1, 16>, scalar_prefetch = 0 : i64, scratch_operands = 13 : i64, tpu.core_type = #tpu.core_type<sc_vector_subcore>, window_params = [{transform_indices = #map}, {transform_indices = #map}, {transform_indices = #map}, {transform_indices = #map}, {transform_indices = #map}]} {
    %mul3A = arith.constant 2048 : i32
    %mul3A_0 = arith.muli %arg1, %mul3A : i32
    %dma_start3A = tpu.memref_slice %arg2[%mul3A_0] : memref<32768xf32, #tpu.memory_space<hbm>> -> memref<2048xf32, #tpu.memory_space<hbm>>
    %dma_start3A_1 = tpu.memref_slice %arg2[%mul3A_0] : memref<32768xf32, #tpu.memory_space<hbm>> -> memref<2048xf32, #tpu.memory_space<hbm>>
    tpu.enqueue_dma source(%dma_start3A_1 : memref<2048xf32, #tpu.memory_space<hbm>>) target(%arg7 : memref<2048xf32, #tpu.memory_space<vmem>>) target_semaphore(%arg16 : memref<!tpu.dma_semaphore, #tpu.memory_space<semaphore_mem>>)
    %dma_start3A_2 = tpu.memref_slice %arg3[%mul3A_0] : memref<32768xf32, #tpu.memory_space<hbm>> -> memref<2048xf32, #tpu.memory_space<hbm>>
    %dma_start3A_3 = tpu.memref_slice %arg3[%mul3A_0] : memref<32768xf32, #tpu.memory_space<hbm>> -> memref<2048xf32, #tpu.memory_space<hbm>>
    tpu.enqueue_dma source(%dma_start3A_3 : memref<2048xf32, #tpu.memory_space<hbm>>) target(%arg8 : memref<2048xf32, #tpu.memory_space<vmem>>) target_semaphore(%arg17 : memref<!tpu.dma_semaphore, #tpu.memory_space<semaphore_mem>>)
    %dma_start3A_4 = tpu.memref_slice %arg4[%mul3A_0] : memref<32768xi32, #tpu.memory_space<hbm>> -> memref<2048xi32, #tpu.memory_space<hbm>>
    %dma_start3A_5 = tpu.memref_slice %arg4[%mul3A_0] : memref<32768xi32, #tpu.memory_space<hbm>> -> memref<2048xi32, #tpu.memory_space<hbm>>
    tpu.enqueue_dma source(%dma_start3A_5 : memref<2048xi32, #tpu.memory_space<hbm>>) target(%arg9 : memref<2048xi32, #tpu.memory_space<vmem>>) target_semaphore(%arg18 : memref<!tpu.dma_semaphore, #tpu.memory_space<semaphore_mem>>)
    tpu.enqueue_dma source(%arg5 : memref<12384xf32, #tpu.memory_space<hbm>>) target(%arg10 : memref<12384xf32, #tpu.memory_space<vmem>>) target_semaphore(%arg19 : memref<!tpu.dma_semaphore, #tpu.memory_space<semaphore_mem>>)
    %dma_wait3A = tpu.memref_slice %arg2[%mul3A_0] : memref<32768xf32, #tpu.memory_space<hbm>> -> memref<2048xf32, #tpu.memory_space<hbm>>
    %dma_wait3A_6 = tpu.memref_slice %arg2[%mul3A_0] : memref<32768xf32, #tpu.memory_space<hbm>> -> memref<2048xf32, #tpu.memory_space<hbm>>
    tpu.wait_dma2 semaphore(%arg16 : memref<!tpu.dma_semaphore, #tpu.memory_space<semaphore_mem>>) src(%dma_wait3A_6 : memref<2048xf32, #tpu.memory_space<hbm>>) dst(%arg7 : memref<2048xf32, #tpu.memory_space<vmem>>)
    %dma_wait3A_7 = tpu.memref_slice %arg3[%mul3A_0] : memref<32768xf32, #tpu.memory_space<hbm>> -> memref<2048xf32, #tpu.memory_space<hbm>>
    %dma_wait3A_8 = tpu.memref_slice %arg3[%mul3A_0] : memref<32768xf32, #tpu.memory_space<hbm>> -> memref<2048xf32, #tpu.memory_space<hbm>>
    tpu.wait_dma2 semaphore(%arg17 : memref<!tpu.dma_semaphore, #tpu.memory_space<semaphore_mem>>) src(%dma_wait3A_8 : memref<2048xf32, #tpu.memory_space<hbm>>) dst(%arg8 : memref<2048xf32, #tpu.memory_space<vmem>>)
    %dma_wait3A_9 = tpu.memref_slice %arg4[%mul3A_0] : memref<32768xi32, #tpu.memory_space<hbm>> -> memref<2048xi32, #tpu.memory_space<hbm>>
    %dma_wait3A_10 = tpu.memref_slice %arg4[%mul3A_0] : memref<32768xi32, #tpu.memory_space<hbm>> -> memref<2048xi32, #tpu.memory_space<hbm>>
    tpu.wait_dma2 semaphore(%arg18 : memref<!tpu.dma_semaphore, #tpu.memory_space<semaphore_mem>>) src(%dma_wait3A_10 : memref<2048xi32, #tpu.memory_space<hbm>>) dst(%arg9 : memref<2048xi32, #tpu.memory_space<vmem>>)
    tpu.wait_dma2 semaphore(%arg19 : memref<!tpu.dma_semaphore, #tpu.memory_space<semaphore_mem>>) src(%arg5 : memref<12384xf32, #tpu.memory_space<hbm>>) dst(%arg10 : memref<12384xf32, #tpu.memory_space<vmem>>)
    %broadcast_in_dim3A = arith.constant 0.000000e+00 : f32
    %broadcast_in_dim3A_11 = vector.broadcast %broadcast_in_dim3A : f32 to vector<16xf32>
    %broadcast_in_dim3A_12 = arith.constant 1.000000e+00 : f32
    %broadcast_in_dim3A_13 = vector.broadcast %broadcast_in_dim3A_12 : f32 to vector<16xf32>
    %iota3A = tpu.iota {dimensions = array<i32: 0>} : vector<16xi32>
    %mul3A_14 = arith.constant 129 : i32
    %mul3A_15 = vector.broadcast %mul3A_14 : i32 to vector<16xi32>
    %mul3A_16 = arith.muli %iota3A, %mul3A_15 : vector<16xi32>
    %scan3A = arith.constant 0 : i32
    %scan3A_17 = arith.constant 0 : i32
    %scan3A_18 = arith.constant 32 : i32
    %scan3A_19 = arith.addi %scan3A_17, %scan3A_18 : i32
    %scan3A_20 = arith.constant 1 : i32
    %scan3A_21 = scf.for %scan3A_37 = %scan3A_17 to %scan3A_19 step %scan3A_20 iter_args(%scan3A_38 = %scan3A) -> (i32)  : i32 {
      %mul3A_39 = arith.constant 4 : i32
      %mul3A_40 = arith.muli %scan3A_37, %mul3A_39 : i32
      %add3A = arith.constant 0 : i32
      %add3A_41 = arith.addi %mul3A_40, %add3A : i32
      %mul3A_42 = arith.constant 16 : i32
      %mul3A_43 = arith.muli %add3A_41, %mul3A_42 : i32
      %get3A = arith.index_cast %mul3A_43 : i32 to index
      %get3A_44 = tpu.vector_load %arg9[%get3A] {strides = array<i32>} : memref<2048xi32, #tpu.memory_space<vmem>>, vector<16xi32>,
      %get3A_45 = arith.index_cast %mul3A_43 : i32 to index
      %get3A_46 = tpu.vector_load %arg7[%get3A_45] {strides = array<i32>} : memref<2048xf32, #tpu.memory_space<vmem>>, vector<16xf32>,
      %get3A_47 = arith.index_cast %mul3A_43 : i32 to index
      %get3A_48 = tpu.vector_load %arg8[%get3A_47] {strides = array<i32>} : memref<2048xf32, #tpu.memory_space<vmem>>, vector<16xf32>,
      %add3A_49 = arith.addi %mul3A_16, %get3A_44 : vector<16xi32>
      tpu.vector_store_idx %arg10[%add3A_49], %broadcast_in_dim3A_13 {add = true} : memref<12384xf32, #tpu.memory_space<vmem>>[vector<16xi32>], vector<16xf32>,
      %add3A_50 = arith.constant 2064 : i32
      %add3A_51 = vector.broadcast %add3A_50 : i32 to vector<16xi32>
      %add3A_52 = arith.addi %add3A_49, %add3A_51 : vector<16xi32>
      tpu.vector_store_idx %arg10[%add3A_52], %get3A_46 {add = true} : memref<12384xf32, #tpu.memory_space<vmem>>[vector<16xi32>], vector<16xf32>,
      %add3A_53 = arith.constant 4128 : i32
      %add3A_54 = vector.broadcast %add3A_53 : i32 to vector<16xi32>
      %add3A_55 = arith.addi %add3A_49, %add3A_54 : vector<16xi32>
      tpu.vector_store_idx %arg10[%add3A_55], %get3A_48 {add = true} : memref<12384xf32, #tpu.memory_space<vmem>>[vector<16xi32>], vector<16xf32>,
      %add3A_56 = arith.constant 6192 : i32
      %add3A_57 = vector.broadcast %add3A_56 : i32 to vector<16xi32>
      %add3A_58 = arith.addi %add3A_49, %add3A_57 : vector<16xi32>
      %mul3A_59 = arith.mulf %get3A_46, %get3A_46 : vector<16xf32>
      tpu.vector_store_idx %arg10[%add3A_58], %mul3A_59 {add = true} : memref<12384xf32, #tpu.memory_space<vmem>>[vector<16xi32>], vector<16xf32>,
      %add3A_60 = arith.constant 8256 : i32
      %add3A_61 = vector.broadcast %add3A_60 : i32 to vector<16xi32>
      %add3A_62 = arith.addi %add3A_49, %add3A_61 : vector<16xi32>
      %mul3A_63 = arith.mulf %get3A_48, %get3A_48 : vector<16xf32>
      tpu.vector_store_idx %arg10[%add3A_62], %mul3A_63 {add = true} : memref<12384xf32, #tpu.memory_space<vmem>>[vector<16xi32>], vector<16xf32>,
      %add3A_64 = arith.constant 10320 : i32
      %add3A_65 = vector.broadcast %add3A_64 : i32 to vector<16xi32>
      %add3A_66 = arith.addi %add3A_49, %add3A_65 : vector<16xi32>
      %mul3A_67 = arith.mulf %get3A_46, %get3A_48 : vector<16xf32>
      tpu.vector_store_idx %arg10[%add3A_66], %mul3A_67 {add = true} : memref<12384xf32, #tpu.memory_space<vmem>>[vector<16xi32>], vector<16xf32>,
      %mul3A_68 = arith.constant 4 : i32
      %mul3A_69 = arith.muli %scan3A_37, %mul3A_68 : i32
      %add3A_70 = arith.constant 1 : i32
      %add3A_71 = arith.addi %mul3A_69, %add3A_70 : i32
      %mul3A_72 = arith.constant 16 : i32
      %mul3A_73 = arith.muli %add3A_71, %mul3A_72 : i32
      %get3A_74 = arith.index_cast %mul3A_73 : i32 to index
      %get3A_75 = tpu.vector_load %arg9[%get3A_74] {strides = array<i32>} : memref<2048xi32, #tpu.memory_space<vmem>>, vector<16xi32>,
      %get3A_76 = arith.index_cast %mul3A_73 : i32 to index
      %get3A_77 = tpu.vector_load %arg7[%get3A_76] {strides = array<i32>} : memref<2048xf32, #tpu.memory_space<vmem>>, vector<16xf32>,
      %get3A_78 = arith.index_cast %mul3A_73 : i32 to index
      %get3A_79 = tpu.vector_load %arg8[%get3A_78] {strides = array<i32>} : memref<2048xf32, #tpu.memory_space<vmem>>, vector<16xf32>,
      %add3A_80 = arith.addi %mul3A_16, %get3A_75 : vector<16xi32>
      tpu.vector_store_idx %arg10[%add3A_80], %broadcast_in_dim3A_13 {add = true} : memref<12384xf32, #tpu.memory_space<vmem>>[vector<16xi32>], vector<16xf32>,
      %add3A_81 = arith.constant 2064 : i32
      %add3A_82 = vector.broadcast %add3A_81 : i32 to vector<16xi32>
      %add3A_83 = arith.addi %add3A_80, %add3A_82 : vector<16xi32>
      tpu.vector_store_idx %arg10[%add3A_83], %get3A_77 {add = true} : memref<12384xf32, #tpu.memory_space<vmem>>[vector<16xi32>], vector<16xf32>,
      %add3A_84 = arith.constant 4128 : i32
      %add3A_85 = vector.broadcast %add3A_84 : i32 to vector<16xi32>
      %add3A_86 = arith.addi %add3A_80, %add3A_85 : vector<16xi32>
      tpu.vector_store_idx %arg10[%add3A_86], %get3A_79 {add = true} : memref<12384xf32, #tpu.memory_space<vmem>>[vector<16xi32>], vector<16xf32>,
      %add3A_87 = arith.constant 6192 : i32
      %add3A_88 = vector.broadcast %add3A_87 : i32 to vector<16xi32>
      %add3A_89 = arith.addi %add3A_80, %add3A_88 : vector<16xi32>
      %mul3A_90 = arith.mulf %get3A_77, %get3A_77 : vector<16xf32>
      tpu.vector_store_idx %arg10[%add3A_89], %mul3A_90 {add = true} : memref<12384xf32, #tpu.memory_space<vmem>>[vector<16xi32>], vector<16xf32>,
      %add3A_91 = arith.constant 8256 : i32
      %add3A_92 = vector.broadcast %add3A_91 : i32 to vector<16xi32>
      %add3A_93 = arith.addi %add3A_80, %add3A_92 : vector<16xi32>
      %mul3A_94 = arith.mulf %get3A_79, %get3A_79 : vector<16xf32>
      tpu.vector_store_idx %arg10[%add3A_93], %mul3A_94 {add = true} : memref<12384xf32, #tpu.memory_space<vmem>>[vector<16xi32>], vector<16xf32>,
      %add3A_95 = arith.constant 10320 : i32
      %add3A_96 = vector.broadcast %add3A_95 : i32 to vector<16xi32>
      %add3A_97 = arith.addi %add3A_80, %add3A_96 : vector<16xi32>
      %mul3A_98 = arith.mulf %get3A_77, %get3A_79 : vector<16xf32>
      tpu.vector_store_idx %arg10[%add3A_97], %mul3A_98 {add = true} : memref<12384xf32, #tpu.memory_space<vmem>>[vector<16xi32>], vector<16xf32>,
      %mul3A_99 = arith.constant 4 : i32
      %mul3A_100 = arith.muli %scan3A_37, %mul3A_99 : i32
      %add3A_101 = arith.constant 2 : i32
      %add3A_102 = arith.addi %mul3A_100, %add3A_101 : i32
      %mul3A_103 = arith.constant 16 : i32
      %mul3A_104 = arith.muli %add3A_102, %mul3A_103 : i32
      %get3A_105 = arith.index_cast %mul3A_104 : i32 to index
      %get3A_106 = tpu.vector_load %arg9[%get3A_105] {strides = array<i32>} : memref<2048xi32, #tpu.memory_space<vmem>>, vector<16xi32>,
      %get3A_107 = arith.index_cast %mul3A_104 : i32 to index
      %get3A_108 = tpu.vector_load %arg7[%get3A_107] {strides = array<i32>} : memref<2048xf32, #tpu.memory_space<vmem>>, vector<16xf32>,
      %get3A_109 = arith.index_cast %mul3A_104 : i32 to index
      %get3A_110 = tpu.vector_load %arg8[%get3A_109] {strides = array<i32>} : memref<2048xf32, #tpu.memory_space<vmem>>, vector<16xf32>,
      %add3A_111 = arith.addi %mul3A_16, %get3A_106 : vector<16xi32>
      tpu.vector_store_idx %arg10[%add3A_111], %broadcast_in_dim3A_13 {add = true} : memref<12384xf32, #tpu.memory_space<vmem>>[vector<16xi32>], vector<16xf32>,
      %add3A_112 = arith.constant 2064 : i32
      %add3A_113 = vector.broadcast %add3A_112 : i32 to vector<16xi32>
      %add3A_114 = arith.addi %add3A_111, %add3A_113 : vector<16xi32>
      tpu.vector_store_idx %arg10[%add3A_114], %get3A_108 {add = true} : memref<12384xf32, #tpu.memory_space<vmem>>[vector<16xi32>], vector<16xf32>,
      %add3A_115 = arith.constant 4128 : i32
      %add3A_116 = vector.broadcast %add3A_115 : i32 to vector<16xi32>
      %add3A_117 = arith.addi %add3A_111, %add3A_116 : vector<16xi32>
      tpu.vector_store_idx %arg10[%add3A_117], %get3A_110 {add = true} : memref<12384xf32, #tpu.memory_space<vmem>>[vector<16xi32>], vector<16xf32>,
      %add3A_118 = arith.constant 6192 : i32
      %add3A_119 = vector.broadcast %add3A_118 : i32 to vector<16xi32>
      %add3A_120 = arith.addi %add3A_111, %add3A_119 : vector<16xi32>
      %mul3A_121 = arith.mulf %get3A_108, %get3A_108 : vector<16xf32>
      tpu.vector_store_idx %arg10[%add3A_120], %mul3A_121 {add = true} : memref<12384xf32, #tpu.memory_space<vmem>>[vector<16xi32>], vector<16xf32>,
      %add3A_122 = arith.constant 8256 : i32
      %add3A_123 = vector.broadcast %add3A_122 : i32 to vector<16xi32>
      %add3A_124 = arith.addi %add3A_111, %add3A_123 : vector<16xi32>
      %mul3A_125 = arith.mulf %get3A_110, %get3A_110 : vector<16xf32>
      tpu.vector_store_idx %arg10[%add3A_124], %mul3A_125 {add = true} : memref<12384xf32, #tpu.memory_space<vmem>>[vector<16xi32>], vector<16xf32>,
      %add3A_126 = arith.constant 10320 : i32
      %add3A_127 = vector.broadcast %add3A_126 : i32 to vector<16xi32>
      %add3A_128 = arith.addi %add3A_111, %add3A_127 : vector<16xi32>
      %mul3A_129 = arith.mulf %get3A_108, %get3A_110 : vector<16xf32>
      tpu.vector_store_idx %arg10[%add3A_128], %mul3A_129 {add = true} : memref<12384xf32, #tpu.memory_space<vmem>>[vector<16xi32>], vector<16xf32>,
      %mul3A_130 = arith.constant 4 : i32
      %mul3A_131 = arith.muli %scan3A_37, %mul3A_130 : i32
      %add3A_132 = arith.constant 3 : i32
      %add3A_133 = arith.addi %mul3A_131, %add3A_132 : i32
      %mul3A_134 = arith.constant 16 : i32
      %mul3A_135 = arith.muli %add3A_133, %mul3A_134 : i32
      %get3A_136 = arith.index_cast %mul3A_135 : i32 to index
      %get3A_137 = tpu.vector_load %arg9[%get3A_136] {strides = array<i32>} : memref<2048xi32, #tpu.memory_space<vmem>>, vector<16xi32>,
      %get3A_138 = arith.index_cast %mul3A_135 : i32 to index
      %get3A_139 = tpu.vector_load %arg7[%get3A_138] {strides = array<i32>} : memref<2048xf32, #tpu.memory_space<vmem>>, vector<16xf32>,
      %get3A_140 = arith.index_cast %mul3A_135 : i32 to index
      %get3A_141 = tpu.vector_load %arg8[%get3A_140] {strides = array<i32>} : memref<2048xf32, #tpu.memory_space<vmem>>, vector<16xf32>,
      %add3A_142 = arith.addi %mul3A_16, %get3A_137 : vector<16xi32>
      tpu.vector_store_idx %arg10[%add3A_142], %broadcast_in_dim3A_13 {add = true} : memref<12384xf32, #tpu.memory_space<vmem>>[vector<16xi32>], vector<16xf32>,
      %add3A_143 = arith.constant 2064 : i32
      %add3A_144 = vector.broadcast %add3A_143 : i32 to vector<16xi32>
      %add3A_145 = arith.addi %add3A_142, %add3A_144 : vector<16xi32>
      tpu.vector_store_idx %arg10[%add3A_145], %get3A_139 {add = true} : memref<12384xf32, #tpu.memory_space<vmem>>[vector<16xi32>], vector<16xf32>,
      %add3A_146 = arith.constant 4128 : i32
      %add3A_147 = vector.broadcast %add3A_146 : i32 to vector<16xi32>
      %add3A_148 = arith.addi %add3A_142, %add3A_147 : vector<16xi32>
      tpu.vector_store_idx %arg10[%add3A_148], %get3A_141 {add = true} : memref<12384xf32, #tpu.memory_space<vmem>>[vector<16xi32>], vector<16xf32>,
      %add3A_149 = arith.constant 6192 : i32
      %add3A_150 = vector.broadcast %add3A_149 : i32 to vector<16xi32>
      %add3A_151 = arith.addi %add3A_142, %add3A_150 : vector<16xi32>
      %mul3A_152 = arith.mulf %get3A_139, %get3A_139 : vector<16xf32>
      tpu.vector_store_idx %arg10[%add3A_151], %mul3A_152 {add = true} : memref<12384xf32, #tpu.memory_space<vmem>>[vector<16xi32>], vector<16xf32>,
      %add3A_153 = arith.constant 8256 : i32
      %add3A_154 = vector.broadcast %add3A_153 : i32 to vector<16xi32>
      %add3A_155 = arith.addi %add3A_142, %add3A_154 : vector<16xi32>
      %mul3A_156 = arith.mulf %get3A_141, %get3A_141 : vector<16xf32>
      tpu.vector_store_idx %arg10[%add3A_155], %mul3A_156 {add = true} : memref<12384xf32, #tpu.memory_space<vmem>>[vector<16xi32>], vector<16xf32>,
      %add3A_157 = arith.constant 10320 : i32
      %add3A_158 = vector.broadcast %add3A_157 : i32 to vector<16xi32>
      %add3A_159 = arith.addi %add3A_142, %add3A_158 : vector<16xi32>
      %mul3A_160 = arith.mulf %get3A_139, %get3A_141 : vector<16xf32>
      tpu.vector_store_idx %arg10[%add3A_159], %mul3A_160 {add = true} : memref<12384xf32, #tpu.memory_space<vmem>>[vector<16xi32>], vector<16xf32>,
      %scan3A_161 = arith.constant 0 : i32
      scf.yield %scan3A_161 : i32
    }
    %scan3A_22 = arith.constant 32 : i32
    %scan3A_23 = arith.constant 0 : i32
    %scan3A_24 = arith.constant 0 : i32
    %scan3A_25 = arith.constant 48 : i32
    %scan3A_26 = arith.addi %scan3A_24, %scan3A_25 : i32
    %scan3A_27 = arith.constant 1 : i32
    %scan3A_28 = scf.for %scan3A_37 = %scan3A_24 to %scan3A_26 step %scan3A_27 iter_args(%scan3A_38 = %scan3A_23) -> (i32)  : i32 {
      %jit3A = arith.constant 8 : i32
      %div3A = arith.divsi %scan3A_37, %jit3A : i32
      %sign3A = arith.constant 0 : i32
      %sign3A_39 = arith.cmpi sgt, %scan3A_37, %sign3A : i32
      %sign3A_40 = arith.extui %sign3A_39 : i1 to i32
      %sign3A_41 = arith.constant 0 : i32
      %sign3A_42 = arith.cmpi slt, %scan3A_37, %sign3A_41 : i32
      %sign3A_43 = arith.extui %sign3A_42 : i1 to i32
      %sign3A_44 = arith.subi %sign3A_40, %sign3A_43 : i32
      %sign3A_45 = arith.constant 0 : i32
      %sign3A_46 = arith.cmpi sgt, %jit3A, %sign3A_45 : i32
      %sign3A_47 = arith.extui %sign3A_46 : i1 to i32
      %sign3A_48 = arith.constant 0 : i32
      %sign3A_49 = arith.cmpi slt, %jit3A, %sign3A_48 : i32
      %sign3A_50 = arith.extui %sign3A_49 : i1 to i32
      %sign3A_51 = arith.subi %sign3A_47, %sign3A_50 : i32
      %ne3A = arith.cmpi ne, %sign3A_44, %sign3A_51 : i32
      %rem3A = arith.remsi %scan3A_37, %jit3A : i32
      %ne3A_52 = arith.constant 0 : i32
      %ne3A_53 = arith.cmpi ne, %rem3A, %ne3A_52 : i32
      %and3A = arith.andi %ne3A, %ne3A_53 : i1
      %sub3A = arith.constant 1 : i32
      %sub3A_54 = arith.subi %div3A, %sub3A : i32
      %select_n3A = arith.select %and3A, %sub3A_54, %div3A : i32
      %jit3A_55 = arith.constant 8 : i32
      %eq3A_56 = arith.constant 0 : i32
      %eq3A_57 = arith.cmpi eq, %jit3A_55, %eq3A_56 : i32
      %jit3A_58 = arith.constant 1 : i32
      %select_n3A_59 = arith.select %eq3A_57, %jit3A_58, %jit3A_55 : i32
      %rem3A_60 = arith.remsi %scan3A_37, %select_n3A_59 : i32
      %ne3A_61 = arith.constant 0 : i32
      %ne3A_62 = arith.cmpi ne, %rem3A_60, %ne3A_61 : i32
      %lt3A_63 = arith.constant 0 : i32
      %lt3A_64 = arith.cmpi slt, %rem3A_60, %lt3A_63 : i32
      %lt3A_65 = arith.constant 0 : i32
      %lt3A_66 = arith.cmpi slt, %select_n3A_59, %lt3A_65 : i32
      %ne3A_67 = arith.xori %lt3A_64, %lt3A_66 : i1
      %and3A_68 = arith.andi %ne3A_67, %ne3A_62 : i1
      %add3A = arith.addi %rem3A_60, %select_n3A_59 : i32
      %select_n3A_69 = arith.select %and3A_68, %add3A, %rem3A_60 : i32
      %mul3A_70 = arith.constant 2064 : i32
      %mul3A_71 = arith.muli %select_n3A, %mul3A_70 : i32
      %add3A_72 = arith.constant 0 : i32
      %add3A_73 = arith.addi %mul3A_71, %add3A_72 : i32
      %mul3A_74 = arith.constant 16 : i32
      %mul3A_75 = arith.muli %select_n3A_69, %mul3A_74 : i32
      %add3A_76 = arith.addi %add3A_73, %mul3A_75 : i32
      %get3A = arith.index_cast %add3A_76 : i32 to index
      %get3A_77 = tpu.vector_load %arg10[%get3A] {strides = array<i32>} : memref<12384xf32, #tpu.memory_space<vmem>>, vector<16xf32>,
      %mul3A_78 = arith.constant 2064 : i32
      %mul3A_79 = arith.muli %select_n3A, %mul3A_78 : i32
      %add3A_80 = arith.constant 129 : i32
      %add3A_81 = arith.addi %mul3A_79, %add3A_80 : i32
      %mul3A_82 = arith.constant 16 : i32
      %mul3A_83 = arith.muli %select_n3A_69, %mul3A_82 : i32
      %add3A_84 = arith.addi %add3A_81, %mul3A_83 : i32
      %get3A_85 = arith.index_cast %add3A_84 : i32 to index
      %get3A_86 = tpu.vector_load %arg10[%get3A_85] {strides = array<i32>} : memref<12384xf32, #tpu.memory_space<vmem>>, vector<16xf32>,
      %mul3A_87 = arith.constant 2064 : i32
      %mul3A_88 = arith.muli %select_n3A, %mul3A_87 : i32
      %add3A_89 = arith.constant 258 : i32
      %add3A_90 = arith.addi %mul3A_88, %add3A_89 : i32
      %mul3A_91 = arith.constant 16 : i32
      %mul3A_92 = arith.muli %select_n3A_69, %mul3A_91 : i32
      %add3A_93 = arith.addi %add3A_90, %mul3A_92 : i32
      %get3A_94 = arith.index_cast %add3A_93 : i32 to index
      %get3A_95 = tpu.vector_load %arg10[%get3A_94] {strides = array<i32>} : memref<12384xf32, #tpu.memory_space<vmem>>, vector<16xf32>,
      %mul3A_96 = arith.constant 2064 : i32
      %mul3A_97 = arith.muli %select_n3A, %mul3A_96 : i32
      %add3A_98 = arith.constant 387 : i32
      %add3A_99 = arith.addi %mul3A_97, %add3A_98 : i32
      %mul3A_100 = arith.constant 16 : i32
      %mul3A_101 = arith.muli %select_n3A_69, %mul3A_100 : i32
      %add3A_102 = arith.addi %add3A_99, %mul3A_101 : i32
      %get3A_103 = arith.index_cast %add3A_102 : i32 to index
      %get3A_104 = tpu.vector_load %arg10[%get3A_103] {strides = array<i32>} : memref<12384xf32, #tpu.memory_space<vmem>>, vector<16xf32>,
      %mul3A_105 = arith.constant 2064 : i32
      %mul3A_106 = arith.muli %select_n3A, %mul3A_105 : i32
      %add3A_107 = arith.constant 516 : i32
      %add3A_108 = arith.addi %mul3A_106, %add3A_107 : i32
      %mul3A_109 = arith.constant 16 : i32
      %mul3A_110 = arith.muli %select_n3A_69, %mul3A_109 : i32
      %add3A_111 = arith.addi %add3A_108, %mul3A_110 : i32
      %get3A_112 = arith.index_cast %add3A_111 : i32 to index
      %get3A_113 = tpu.vector_load %arg10[%get3A_112] {strides = array<i32>} : memref<12384xf32, #tpu.memory_space<vmem>>, vector<16xf32>,
      %mul3A_114 = arith.constant 2064 : i32
      %mul3A_115 = arith.muli %select_n3A, %mul3A_114 : i32
      %add3A_116 = arith.constant 645 : i32
      %add3A_117 = arith.addi %mul3A_115, %add3A_116 : i32
      %mul3A_118 = arith.constant 16 : i32
      %mul3A_119 = arith.muli %select_n3A_69, %mul3A_118 : i32
      %add3A_120 = arith.addi %add3A_117, %mul3A_119 : i32
      %get3A_121 = arith.index_cast %add3A_120 : i32 to index
      %get3A_122 = tpu.vector_load %arg10[%get3A_121] {strides = array<i32>} : memref<12384xf32, #tpu.memory_space<vmem>>, vector<16xf32>,
      %mul3A_123 = arith.constant 2064 : i32
      %mul3A_124 = arith.muli %select_n3A, %mul3A_123 : i32
      %add3A_125 = arith.constant 774 : i32
      %add3A_126 = arith.addi %mul3A_124, %add3A_125 : i32
      %mul3A_127 = arith.constant 16 : i32
      %mul3A_128 = arith.muli %select_n3A_69, %mul3A_127 : i32
      %add3A_129 = arith.addi %add3A_126, %mul3A_128 : i32
      %get3A_130 = arith.index_cast %add3A_129 : i32 to index
      %get3A_131 = tpu.vector_load %arg10[%get3A_130] {strides = array<i32>} : memref<12384xf32, #tpu.memory_space<vmem>>, vector<16xf32>,
      %mul3A_132 = arith.constant 2064 : i32
      %mul3A_133 = arith.muli %select_n3A, %mul3A_132 : i32
      %add3A_134 = arith.constant 903 : i32
      %add3A_135 = arith.addi %mul3A_133, %add3A_134 : i32
      %mul3A_136 = arith.constant 16 : i32
      %mul3A_137 = arith.muli %select_n3A_69, %mul3A_136 : i32
      %add3A_138 = arith.addi %add3A_135, %mul3A_137 : i32
      %get3A_139 = arith.index_cast %add3A_138 : i32 to index
      %get3A_140 = tpu.vector_load %arg10[%get3A_139] {strides = array<i32>} : memref<12384xf32, #tpu.memory_space<vmem>>, vector<16xf32>,
      %mul3A_141 = arith.constant 2064 : i32
      %mul3A_142 = arith.muli %select_n3A, %mul3A_141 : i32
      %add3A_143 = arith.constant 1032 : i32
      %add3A_144 = arith.addi %mul3A_142, %add3A_143 : i32
      %mul3A_145 = arith.constant 16 : i32
      %mul3A_146 = arith.muli %select_n3A_69, %mul3A_145 : i32
      %add3A_147 = arith.addi %add3A_144, %mul3A_146 : i32
      %get3A_148 = arith.index_cast %add3A_147 : i32 to index
      %get3A_149 = tpu.vector_load %arg10[%get3A_148] {strides = array<i32>} : memref<12384xf32, #tpu.memory_space<vmem>>, vector<16xf32>,
      %mul3A_150 = arith.constant 2064 : i32
      %mul3A_151 = arith.muli %select_n3A, %mul3A_150 : i32
      %add3A_152 = arith.constant 1161 : i32
      %add3A_153 = arith.addi %mul3A_151, %add3A_152 : i32
      %mul3A_154 = arith.constant 16 : i32
      %mul3A_155 = arith.muli %select_n3A_69, %mul3A_154 : i32
      %add3A_156 = arith.addi %add3A_153, %mul3A_155 : i32
      %get3A_157 = arith.index_cast %add3A_156 : i32 to index
      %get3A_158 = tpu.vector_load %arg10[%get3A_157] {strides = array<i32>} : memref<12384xf32, #tpu.memory_space<vmem>>, vector<16xf32>,
      %mul3A_159 = arith.constant 2064 : i32
      %mul3A_160 = arith.muli %select_n3A, %mul3A_159 : i32
      %add3A_161 = arith.constant 1290 : i32
      %add3A_162 = arith.addi %mul3A_160, %add3A_161 : i32
      %mul3A_163 = arith.constant 16 : i32
      %mul3A_164 = arith.muli %select_n3A_69, %mul3A_163 : i32
      %add3A_165 = arith.addi %add3A_162, %mul3A_164 : i32
      %get3A_166 = arith.index_cast %add3A_165 : i32 to index
      %get3A_167 = tpu.vector_load %arg10[%get3A_166] {strides = array<i32>} : memref<12384xf32, #tpu.memory_space<vmem>>, vector<16xf32>,
      %mul3A_168 = arith.constant 2064 : i32
      %mul3A_169 = arith.muli %select_n3A, %mul3A_168 : i32
      %add3A_170 = arith.constant 1419 : i32
      %add3A_171 = arith.addi %mul3A_169, %add3A_170 : i32
      %mul3A_172 = arith.constant 16 : i32
      %mul3A_173 = arith.muli %select_n3A_69, %mul3A_172 : i32
      %add3A_174 = arith.addi %add3A_171, %mul3A_173 : i32
      %get3A_175 = arith.index_cast %add3A_174 : i32 to index
      %get3A_176 = tpu.vector_load %arg10[%get3A_175] {strides = array<i32>} : memref<12384xf32, #tpu.memory_space<vmem>>, vector<16xf32>,
      %mul3A_177 = arith.constant 2064 : i32
      %mul3A_178 = arith.muli %select_n3A, %mul3A_177 : i32
      %add3A_179 = arith.constant 1548 : i32
      %add3A_180 = arith.addi %mul3A_178, %add3A_179 : i32
      %mul3A_181 = arith.constant 16 : i32
      %mul3A_182 = arith.muli %select_n3A_69, %mul3A_181 : i32
      %add3A_183 = arith.addi %add3A_180, %mul3A_182 : i32
      %get3A_184 = arith.index_cast %add3A_183 : i32 to index
      %get3A_185 = tpu.vector_load %arg10[%get3A_184] {strides = array<i32>} : memref<12384xf32, #tpu.memory_space<vmem>>, vector<16xf32>,
      %mul3A_186 = arith.constant 2064 : i32
      %mul3A_187 = arith.muli %select_n3A, %mul3A_186 : i32
      %add3A_188 = arith.constant 1677 : i32
      %add3A_189 = arith.addi %mul3A_187, %add3A_188 : i32
      %mul3A_190 = arith.constant 16 : i32
      %mul3A_191 = arith.muli %select_n3A_69, %mul3A_190 : i32
      %add3A_192 = arith.addi %add3A_189, %mul3A_191 : i32
      %get3A_193 = arith.index_cast %add3A_192 : i32 to index
      %get3A_194 = tpu.vector_load %arg10[%get3A_193] {strides = array<i32>} : memref<12384xf32, #tpu.memory_space<vmem>>, vector<16xf32>,
      %mul3A_195 = arith.constant 2064 : i32
      %mul3A_196 = arith.muli %select_n3A, %mul3A_195 : i32
      %add3A_197 = arith.constant 1806 : i32
      %add3A_198 = arith.addi %mul3A_196, %add3A_197 : i32
      %mul3A_199 = arith.constant 16 : i32
      %mul3A_200 = arith.muli %select_n3A_69, %mul3A_199 : i32
      %add3A_201 = arith.addi %add3A_198, %mul3A_200 : i32
      %get3A_202 = arith.index_cast %add3A_201 : i32 to index
      %get3A_203 = tpu.vector_load %arg10[%get3A_202] {strides = array<i32>} : memref<12384xf32, #tpu.memory_space<vmem>>, vector<16xf32>,
      %mul3A_204 = arith.constant 2064 : i32
      %mul3A_205 = arith.muli %select_n3A, %mul3A_204 : i32
      %add3A_206 = arith.constant 1935 : i32
      %add3A_207 = arith.addi %mul3A_205, %add3A_206 : i32
      %mul3A_208 = arith.constant 16 : i32
      %mul3A_209 = arith.muli %select_n3A_69, %mul3A_208 : i32
      %add3A_210 = arith.addi %add3A_207, %mul3A_209 : i32
      %get3A_211 = arith.index_cast %add3A_210 : i32 to index
      %get3A_212 = tpu.vector_load %arg10[%get3A_211] {strides = array<i32>} : memref<12384xf32, #tpu.memory_space<vmem>>, vector<16xf32>,
      %add3A_213 = arith.addf %get3A_77, %get3A_86 : vector<16xf32>
      %add3A_214 = arith.addf %get3A_95, %get3A_104 : vector<16xf32>
      %add3A_215 = arith.addf %get3A_113, %get3A_122 : vector<16xf32>
      %add3A_216 = arith.addf %get3A_131, %get3A_140 : vector<16xf32>
      %add3A_217 = arith.addf %get3A_149, %get3A_158 : vector<16xf32>
      %add3A_218 = arith.addf %get3A_167, %get3A_176 : vector<16xf32>
      %add3A_219 = arith.addf %get3A_185, %get3A_194 : vector<16xf32>
      %add3A_220 = arith.addf %get3A_203, %get3A_212 : vector<16xf32>
      %add3A_221 = arith.addf %add3A_213, %add3A_214 : vector<16xf32>
      %add3A_222 = arith.addf %add3A_215, %add3A_216 : vector<16xf32>
      %add3A_223 = arith.addf %add3A_217, %add3A_218 : vector<16xf32>
      %add3A_224 = arith.addf %add3A_219, %add3A_220 : vector<16xf32>
      %add3A_225 = arith.addf %add3A_221, %add3A_222 : vector<16xf32>
      %add3A_226 = arith.addf %add3A_223, %add3A_224 : vector<16xf32>
      %add3A_227 = arith.addf %add3A_225, %add3A_226 : vector<16xf32>
      %mul3A_228 = arith.constant 128 : i32
      %mul3A_229 = arith.muli %select_n3A, %mul3A_228 : i32
      %mul3A_230 = arith.constant 16 : i32
      %mul3A_231 = arith.muli %select_n3A_69, %mul3A_230 : i32
      %add3A_232 = arith.addi %mul3A_229, %mul3A_231 : i32
      %swap3A = arith.index_cast %add3A_232 : i32 to index
      %swap3A_233 = tpu.vector_load %arg11[%swap3A] {strides = array<i32>} : memref<768xf32, #tpu.memory_space<vmem>>, vector<16xf32>,
      tpu.vector_store %arg11[%swap3A], %add3A_227 {strides = array<i32>} : memref<768xf32, #tpu.memory_space<vmem>>, vector<16xf32>,
      %scan3A_234 = arith.constant 0 : i32
      scf.yield %scan3A_234 : i32
    }
    %scan3A_29 = arith.constant 48 : i32
    "tpu.region"() ({
      %run_scoped3A = tpu.sem_alloc : memref<!tpu.dma_semaphore, #tpu.memory_space<semaphore_mem>>
      %dma_start3A_37 = arith.constant 0 : i32
      %dma_start3A_38 = tpu.memref_slice %arg15[%arg1, %dma_start3A_37] : memref<16x768xf32, #tpu.memory_space<vmem_shared>> -> memref<1x768xf32, #tpu.memory_space<vmem_shared>>
      %dma_start3A_39 = tpu.memref_squeeze %dma_start3A_38 : memref<1x768xf32, #tpu.memory_space<vmem_shared>> -> memref<768xf32, #tpu.memory_space<vmem_shared>>
      %dma_start3A_40 = arith.constant 0 : i32
      %dma_start3A_41 = tpu.memref_slice %arg15[%arg1, %dma_start3A_40] : memref<16x768xf32, #tpu.memory_space<vmem_shared>> -> memref<1x768xf32, #tpu.memory_space<vmem_shared>>
      %dma_start3A_42 = tpu.memref_squeeze %dma_start3A_41 : memref<1x768xf32, #tpu.memory_space<vmem_shared>> -> memref<768xf32, #tpu.memory_space<vmem_shared>>
      tpu.enqueue_dma source(%arg11 : memref<768xf32, #tpu.memory_space<vmem>>) target(%dma_start3A_42 : memref<768xf32, #tpu.memory_space<vmem_shared>>) target_semaphore(%run_scoped3A : memref<!tpu.dma_semaphore, #tpu.memory_space<semaphore_mem>>)
      %dma_wait3A_43 = arith.constant 0 : i32
      %dma_wait3A_44 = tpu.memref_slice %arg15[%arg1, %dma_wait3A_43] : memref<16x768xf32, #tpu.memory_space<vmem_shared>> -> memref<1x768xf32, #tpu.memory_space<vmem_shared>>
      %dma_wait3A_45 = tpu.memref_squeeze %dma_wait3A_44 : memref<1x768xf32, #tpu.memory_space<vmem_shared>> -> memref<768xf32, #tpu.memory_space<vmem_shared>>
      %dma_wait3A_46 = arith.constant 0 : i32
      %dma_wait3A_47 = tpu.memref_slice %arg15[%arg1, %dma_wait3A_46] : memref<16x768xf32, #tpu.memory_space<vmem_shared>> -> memref<1x768xf32, #tpu.memory_space<vmem_shared>>
      %dma_wait3A_48 = tpu.memref_squeeze %dma_wait3A_47 : memref<1x768xf32, #tpu.memory_space<vmem_shared>> -> memref<768xf32, #tpu.memory_space<vmem_shared>>
      tpu.wait_dma2 semaphore(%run_scoped3A : memref<!tpu.dma_semaphore, #tpu.memory_space<semaphore_mem>>) src(%arg11 : memref<768xf32, #tpu.memory_space<vmem>>) dst(%dma_wait3A_48 : memref<768xf32, #tpu.memory_space<vmem_shared>>)
      tpu.yield
    }) : () -> ()
    %barrier3A = arith.constant 0 : index
    tpu.barrier barrier_id(%barrier3A)
    %lt3A = arith.constant 8 : i32
    %lt3A_30 = arith.cmpi slt, %arg1, %lt3A : i32
    %convert_element_type3A = arith.extui %lt3A_30 : i1 to i32
    %cond3A = arith.constant 0 : i32
    %cond3A_31 = arith.cmpi ne, %convert_element_type3A, %cond3A : i32
    scf.if %cond3A_31 {
      %add3A = arith.constant 8 : i32
      %add3A_37 = arith.addi %arg1, %add3A : i32
      "tpu.region"() ({
        %run_scoped3A = tpu.sem_alloc : memref<!tpu.dma_semaphore, #tpu.memory_space<semaphore_mem>>
        %dma_start3A_45 = arith.constant 0 : i32
        %dma_start3A_46 = tpu.memref_slice %arg15[%add3A_37, %dma_start3A_45] : memref<16x768xf32, #tpu.memory_space<vmem_shared>> -> memref<1x768xf32, #tpu.memory_space<vmem_shared>>
        %dma_start3A_47 = tpu.memref_squeeze %dma_start3A_46 : memref<1x768xf32, #tpu.memory_space<vmem_shared>> -> memref<768xf32, #tpu.memory_space<vmem_shared>>
        %dma_start3A_48 = arith.constant 0 : i32
        %dma_start3A_49 = tpu.memref_slice %arg15[%add3A_37, %dma_start3A_48] : memref<16x768xf32, #tpu.memory_space<vmem_shared>> -> memref<1x768xf32, #tpu.memory_space<vmem_shared>>
        %dma_start3A_50 = tpu.memref_squeeze %dma_start3A_49 : memref<1x768xf32, #tpu.memory_space<vmem_shared>> -> memref<768xf32, #tpu.memory_space<vmem_shared>>
        tpu.enqueue_dma source(%dma_start3A_50 : memref<768xf32, #tpu.memory_space<vmem_shared>>) target(%arg12 : memref<768xf32, #tpu.memory_space<vmem>>) target_semaphore(%run_scoped3A : memref<!tpu.dma_semaphore, #tpu.memory_space<semaphore_mem>>)
        %dma_wait3A_51 = arith.constant 0 : i32
        %dma_wait3A_52 = tpu.memref_slice %arg15[%add3A_37, %dma_wait3A_51] : memref<16x768xf32, #tpu.memory_space<vmem_shared>> -> memref<1x768xf32, #tpu.memory_space<vmem_shared>>
        %dma_wait3A_53 = tpu.memref_squeeze %dma_wait3A_52 : memref<1x768xf32, #tpu.memory_space<vmem_shared>> -> memref<768xf32, #tpu.memory_space<vmem_shared>>
        %dma_wait3A_54 = arith.constant 0 : i32
        %dma_wait3A_55 = tpu.memref_slice %arg15[%add3A_37, %dma_wait3A_54] : memref<16x768xf32, #tpu.memory_space<vmem_shared>> -> memref<1x768xf32, #tpu.memory_space<vmem_shared>>
        %dma_wait3A_56 = tpu.memref_squeeze %dma_wait3A_55 : memref<1x768xf32, #tpu.memory_space<vmem_shared>> -> memref<768xf32, #tpu.memory_space<vmem_shared>>
        tpu.wait_dma2 semaphore(%run_scoped3A : memref<!tpu.dma_semaphore, #tpu.memory_space<semaphore_mem>>) src(%dma_wait3A_56 : memref<768xf32, #tpu.memory_space<vmem_shared>>) dst(%arg12 : memref<768xf32, #tpu.memory_space<vmem>>)
        tpu.yield
      }) : () -> ()
      %scan3A_38 = arith.constant 0 : i32
      %scan3A_39 = arith.constant 0 : i32
      %scan3A_40 = arith.constant 48 : i32
      %scan3A_41 = arith.addi %scan3A_39, %scan3A_40 : i32
      %scan3A_42 = arith.constant 1 : i32
      %scan3A_43 = scf.for %scan3A_45 = %scan3A_39 to %scan3A_41 step %scan3A_42 iter_args(%scan3A_46 = %scan3A_38) -> (i32)  : i32 {
        %mul3A_47 = arith.constant 16 : i32
        %mul3A_48 = arith.muli %scan3A_45, %mul3A_47 : i32
        %get3A = arith.index_cast %mul3A_48 : i32 to index
        %get3A_49 = tpu.vector_load %arg11[%get3A] {strides = array<i32>} : memref<768xf32, #tpu.memory_space<vmem>>, vector<16xf32>,
        %mul3A_50 = arith.constant 16 : i32
        %mul3A_51 = arith.muli %scan3A_45, %mul3A_50 : i32
        %get3A_52 = arith.index_cast %mul3A_51 : i32 to index
        %get3A_53 = tpu.vector_load %arg12[%get3A_52] {strides = array<i32>} : memref<768xf32, #tpu.memory_space<vmem>>, vector<16xf32>,
        %add3A_54 = arith.addf %get3A_49, %get3A_53 : vector<16xf32>
        %mul3A_55 = arith.constant 16 : i32
        %mul3A_56 = arith.muli %scan3A_45, %mul3A_55 : i32
        %swap3A = arith.index_cast %mul3A_56 : i32 to index
        %swap3A_57 = tpu.vector_load %arg11[%swap3A] {strides = array<i32>} : memref<768xf32, #tpu.memory_space<vmem>>, vector<16xf32>,
        tpu.vector_store %arg11[%swap3A], %add3A_54 {strides = array<i32>} : memref<768xf32, #tpu.memory_space<vmem>>, vector<16xf32>,
        %scan3A_58 = arith.constant 0 : i32
        scf.yield %scan3A_58 : i32
      }
      %scan3A_44 = arith.constant 48 : i32
      "tpu.region"() ({
        %run_scoped3A = tpu.sem_alloc : memref<!tpu.dma_semaphore, #tpu.memory_space<semaphore_mem>>
        %dma_start3A_45 = arith.constant 0 : i32
        %dma_start3A_46 = tpu.memref_slice %arg15[%arg1, %dma_start3A_45] : memref<16x768xf32, #tpu.memory_space<vmem_shared>> -> memref<1x768xf32, #tpu.memory_space<vmem_shared>>
        %dma_start3A_47 = tpu.memref_squeeze %dma_start3A_46 : memref<1x768xf32, #tpu.memory_space<vmem_shared>> -> memref<768xf32, #tpu.memory_space<vmem_shared>>
        %dma_start3A_48 = arith.constant 0 : i32
        %dma_start3A_49 = tpu.memref_slice %arg15[%arg1, %dma_start3A_48] : memref<16x768xf32, #tpu.memory_space<vmem_shared>> -> memref<1x768xf32, #tpu.memory_space<vmem_shared>>
        %dma_start3A_50 = tpu.memref_squeeze %dma_start3A_49 : memref<1x768xf32, #tpu.memory_space<vmem_shared>> -> memref<768xf32, #tpu.memory_space<vmem_shared>>
        tpu.enqueue_dma source(%arg11 : memref<768xf32, #tpu.memory_space<vmem>>) target(%dma_start3A_50 : memref<768xf32, #tpu.memory_space<vmem_shared>>) target_semaphore(%run_scoped3A : memref<!tpu.dma_semaphore, #tpu.memory_space<semaphore_mem>>)
        %dma_wait3A_51 = arith.constant 0 : i32
        %dma_wait3A_52 = tpu.memref_slice %arg15[%arg1, %dma_wait3A_51] : memref<16x768xf32, #tpu.memory_space<vmem_shared>> -> memref<1x768xf32, #tpu.memory_space<vmem_shared>>
        %dma_wait3A_53 = tpu.memref_squeeze %dma_wait3A_52 : memref<1x768xf32, #tpu.memory_space<vmem_shared>> -> memref<768xf32, #tpu.memory_space<vmem_shared>>
        %dma_wait3A_54 = arith.constant 0 : i32
        %dma_wait3A_55 = tpu.memref_slice %arg15[%arg1, %dma_wait3A_54] : memref<16x768xf32, #tpu.memory_space<vmem_shared>> -> memref<1x768xf32, #tpu.memory_space<vmem_shared>>
        %dma_wait3A_56 = tpu.memref_squeeze %dma_wait3A_55 : memref<1x768xf32, #tpu.memory_space<vmem_shared>> -> memref<768xf32, #tpu.memory_space<vmem_shared>>
        tpu.wait_dma2 semaphore(%run_scoped3A : memref<!tpu.dma_semaphore, #tpu.memory_space<semaphore_mem>>) src(%arg11 : memref<768xf32, #tpu.memory_space<vmem>>) dst(%dma_wait3A_56 : memref<768xf32, #tpu.memory_space<vmem_shared>>)
        tpu.yield
      }) : () -> ()
    } else {
    }
    %barrier3A_32 = arith.constant 0 : index
    tpu.barrier barrier_id(%barrier3A_32)
    %eq3A = arith.constant 0 : i32
    %eq3A_33 = arith.cmpi eq, %arg1, %eq3A : i32
    %convert_element_type3A_34 = arith.extui %eq3A_33 : i1 to i32
    %cond3A_35 = arith.constant 0 : i32
    %cond3A_36 = arith.cmpi ne, %convert_element_type3A_34, %cond3A_35 : i32
    scf.if %cond3A_36 {
      "tpu.region"() ({
        %run_scoped3A = tpu.sem_alloc : memref<!tpu.dma_semaphore, #tpu.memory_space<semaphore_mem>>
        %dma_start3A_49 = arith.constant 0 : i32
        %dma_start3A_50 = arith.constant 0 : i32
        %dma_start3A_51 = tpu.memref_slice %arg15[%dma_start3A_49, %dma_start3A_50] : memref<16x768xf32, #tpu.memory_space<vmem_shared>> -> memref<8x768xf32, #tpu.memory_space<vmem_shared>>
        %dma_start3A_52 = arith.constant 0 : i32
        %dma_start3A_53 = arith.constant 0 : i32
        %dma_start3A_54 = tpu.memref_slice %arg15[%dma_start3A_52, %dma_start3A_53] : memref<16x768xf32, #tpu.memory_space<vmem_shared>> -> memref<8x768xf32, #tpu.memory_space<vmem_shared>>
        tpu.enqueue_dma source(%dma_start3A_54 : memref<8x768xf32, #tpu.memory_space<vmem_shared>>) target(%arg13 : memref<8x768xf32, #tpu.memory_space<vmem>>) target_semaphore(%run_scoped3A : memref<!tpu.dma_semaphore, #tpu.memory_space<semaphore_mem>>)
        %dma_wait3A_55 = arith.constant 0 : i32
        %dma_wait3A_56 = arith.constant 0 : i32
        %dma_wait3A_57 = tpu.memref_slice %arg15[%dma_wait3A_55, %dma_wait3A_56] : memref<16x768xf32, #tpu.memory_space<vmem_shared>> -> memref<8x768xf32, #tpu.memory_space<vmem_shared>>
        %dma_wait3A_58 = arith.constant 0 : i32
        %dma_wait3A_59 = arith.constant 0 : i32
        %dma_wait3A_60 = tpu.memref_slice %arg15[%dma_wait3A_58, %dma_wait3A_59] : memref<16x768xf32, #tpu.memory_space<vmem_shared>> -> memref<8x768xf32, #tpu.memory_space<vmem_shared>>
        tpu.wait_dma2 semaphore(%run_scoped3A : memref<!tpu.dma_semaphore, #tpu.memory_space<semaphore_mem>>) src(%dma_wait3A_60 : memref<8x768xf32, #tpu.memory_space<vmem_shared>>) dst(%arg13 : memref<8x768xf32, #tpu.memory_space<vmem>>)
        tpu.yield
      }) : () -> ()
      %scan3A_37 = arith.constant 0 : i32
      %scan3A_38 = arith.constant 8 : i32
      %scan3A_39 = arith.addi %scan3A_37, %scan3A_38 : i32
      %scan3A_40 = arith.constant 1 : i32
      %scan3A_41 = scf.for %scan3A_49 = %scan3A_37 to %scan3A_39 step %scan3A_40 iter_args(%scan3A_50 = %broadcast_in_dim3A_11) -> (vector<16xf32>)  : i32 {
        %scan3A_51 = arith.constant 0 : i32
        %scan3A_52 = arith.constant 8 : i32
        %scan3A_53 = arith.addi %scan3A_51, %scan3A_52 : i32
        %scan3A_54 = arith.constant 1 : i32
        %scan3A_55:6 = scf.for %scan3A_97 = %scan3A_51 to %scan3A_53 step %scan3A_54 iter_args(%scan3A_98 = %broadcast_in_dim3A_11, %scan3A_99 = %broadcast_in_dim3A_11, %scan3A_100 = %broadcast_in_dim3A_11, %scan3A_101 = %broadcast_in_dim3A_11, %scan3A_102 = %broadcast_in_dim3A_11, %scan3A_103 = %broadcast_in_dim3A_11) -> (vector<16xf32>, vector<16xf32>, vector<16xf32>, vector<16xf32>, vector<16xf32>, vector<16xf32>)  : i32 {
          %mul3A_104 = arith.constant 16 : i32
          %mul3A_105 = arith.muli %scan3A_49, %mul3A_104 : i32
          %add3A_106 = arith.constant 0 : i32
          %add3A_107 = arith.addi %add3A_106, %mul3A_105 : i32
          %get3A = arith.index_cast %scan3A_97 : i32 to index
          %get3A_108 = arith.index_cast %add3A_107 : i32 to index
          %get3A_109 = tpu.vector_load %arg13[%get3A, %get3A_108] {strides = array<i32>} : memref<8x768xf32, #tpu.memory_space<vmem>>, vector<16xf32>,
          %add3A_110 = arith.addf %scan3A_98, %get3A_109 : vector<16xf32>
          %mul3A_111 = arith.constant 16 : i32
          %mul3A_112 = arith.muli %scan3A_49, %mul3A_111 : i32
          %add3A_113 = arith.constant 128 : i32
          %add3A_114 = arith.addi %add3A_113, %mul3A_112 : i32
          %get3A_115 = arith.index_cast %scan3A_97 : i32 to index
          %get3A_116 = arith.index_cast %add3A_114 : i32 to index
          %get3A_117 = tpu.vector_load %arg13[%get3A_115, %get3A_116] {strides = array<i32>} : memref<8x768xf32, #tpu.memory_space<vmem>>, vector<16xf32>,
          %add3A_118 = arith.addf %scan3A_99, %get3A_117 : vector<16xf32>
          %mul3A_119 = arith.constant 16 : i32
          %mul3A_120 = arith.muli %scan3A_49, %mul3A_119 : i32
          %add3A_121 = arith.constant 256 : i32
          %add3A_122 = arith.addi %add3A_121, %mul3A_120 : i32
          %get3A_123 = arith.index_cast %scan3A_97 : i32 to index
          %get3A_124 = arith.index_cast %add3A_122 : i32 to index
          %get3A_125 = tpu.vector_load %arg13[%get3A_123, %get3A_124] {strides = array<i32>} : memref<8x768xf32, #tpu.memory_space<vmem>>, vector<16xf32>,
          %add3A_126 = arith.addf %scan3A_100, %get3A_125 : vector<16xf32>
          %mul3A_127 = arith.constant 16 : i32
          %mul3A_128 = arith.muli %scan3A_49, %mul3A_127 : i32
          %add3A_129 = arith.constant 384 : i32
          %add3A_130 = arith.addi %add3A_129, %mul3A_128 : i32
          %get3A_131 = arith.index_cast %scan3A_97 : i32 to index
          %get3A_132 = arith.index_cast %add3A_130 : i32 to index
          %get3A_133 = tpu.vector_load %arg13[%get3A_131, %get3A_132] {strides = array<i32>} : memref<8x768xf32, #tpu.memory_space<vmem>>, vector<16xf32>,
          %add3A_134 = arith.addf %scan3A_101, %get3A_133 : vector<16xf32>
          %mul3A_135 = arith.constant 16 : i32
          %mul3A_136 = arith.muli %scan3A_49, %mul3A_135 : i32
          %add3A_137 = arith.constant 512 : i32
          %add3A_138 = arith.addi %add3A_137, %mul3A_136 : i32
          %get3A_139 = arith.index_cast %scan3A_97 : i32 to index
          %get3A_140 = arith.index_cast %add3A_138 : i32 to index
          %get3A_141 = tpu.vector_load %arg13[%get3A_139, %get3A_140] {strides = array<i32>} : memref<8x768xf32, #tpu.memory_space<vmem>>, vector<16xf32>,
          %add3A_142 = arith.addf %scan3A_102, %get3A_141 : vector<16xf32>
          %mul3A_143 = arith.constant 16 : i32
          %mul3A_144 = arith.muli %scan3A_49, %mul3A_143 : i32
          %add3A_145 = arith.constant 640 : i32
          %add3A_146 = arith.addi %add3A_145, %mul3A_144 : i32
          %get3A_147 = arith.index_cast %scan3A_97 : i32 to index
          %get3A_148 = arith.index_cast %add3A_146 : i32 to index
          %get3A_149 = tpu.vector_load %arg13[%get3A_147, %get3A_148] {strides = array<i32>} : memref<8x768xf32, #tpu.memory_space<vmem>>, vector<16xf32>,
          %add3A_150 = arith.addf %scan3A_103, %get3A_149 : vector<16xf32>
          scf.yield %add3A_110, %add3A_118, %add3A_126, %add3A_134, %add3A_142, %add3A_150 : vector<16xf32>, vector<16xf32>, vector<16xf32>, vector<16xf32>, vector<16xf32>, vector<16xf32>
        }
        %scan3A_56 = arith.constant 8 : i32
        %gt3A = arith.cmpf ogt, %scan3A_55#0, %broadcast_in_dim3A_11 : vector<16xf32>
        %max3A = arith.maximumf %scan3A_55#0, %broadcast_in_dim3A_13 : vector<16xf32>
        %mul3A_57 = arith.mulf %scan3A_55#1, %scan3A_55#2 : vector<16xf32>
        %div3A = arith.divf %mul3A_57, %max3A : vector<16xf32>
        %sub3A = arith.subf %scan3A_55#5, %div3A : vector<16xf32>
        %mul3A_58 = arith.mulf %scan3A_55#1, %scan3A_55#1 : vector<16xf32>
        %div3A_59 = arith.divf %mul3A_58, %max3A : vector<16xf32>
        %sub3A_60 = arith.subf %scan3A_55#3, %div3A_59 : vector<16xf32>
        %max3A_61 = arith.maximumf %sub3A_60, %broadcast_in_dim3A_11 : vector<16xf32>
        %mul3A_62 = arith.mulf %scan3A_55#2, %scan3A_55#2 : vector<16xf32>
        %div3A_63 = arith.divf %mul3A_62, %max3A : vector<16xf32>
        %sub3A_64 = arith.subf %scan3A_55#4, %div3A_63 : vector<16xf32>
        %max3A_65 = arith.maximumf %sub3A_64, %broadcast_in_dim3A_11 : vector<16xf32>
        %mul3A_66 = arith.constant 2.000000e+00 : f32
        %mul3A_67 = vector.broadcast %mul3A_66 : f32 to vector<16xf32>
        %mul3A_68 = arith.mulf %mul3A_67, %scan3A_55#5 : vector<16xf32>
        %sub3A_69 = arith.subf %scan3A_55#3, %mul3A_68 : vector<16xf32>
        %add3A = arith.addf %sub3A_69, %scan3A_55#4 : vector<16xf32>
        %div3A_70 = arith.divf %add3A, %max3A : vector<16xf32>
        %mul3A_71 = arith.mulf %max3A_61, %max3A_65 : vector<16xf32>
        %select_n3A = arith.select %gt3A, %mul3A_71, %broadcast_in_dim3A_13 : vector<16xi1>, vector<16xf32>
        %bitcast3A = vector.bitcast %select_n3A : vector<16xf32> to vector<16xi32>
        %shift_right_arithmetic3A = arith.constant 1 : i32
        %shift_right_arithmetic3A_72 = vector.broadcast %shift_right_arithmetic3A : i32 to vector<16xi32>
        %shift_right_arithmetic3A_73 = arith.shrsi %bitcast3A, %shift_right_arithmetic3A_72 : vector<16xi32>
        %broadcast_in_dim3A_74 = arith.constant 532487670 : i32
        %broadcast_in_dim3A_75 = vector.broadcast %broadcast_in_dim3A_74 : i32 to vector<16xi32>
        %add3A_76 = arith.addi %shift_right_arithmetic3A_73, %broadcast_in_dim3A_75 : vector<16xi32>
        %bitcast3A_77 = vector.bitcast %add3A_76 : vector<16xi32> to vector<16xf32>
        %broadcast_in_dim3A_78 = arith.constant 5.000000e-01 : f32
        %broadcast_in_dim3A_79 = vector.broadcast %broadcast_in_dim3A_78 : f32 to vector<16xf32>
        %div3A_80 = arith.divf %select_n3A, %bitcast3A_77 : vector<16xf32>
        %add3A_81 = arith.addf %bitcast3A_77, %div3A_80 : vector<16xf32>
        %mul3A_82 = arith.mulf %broadcast_in_dim3A_79, %add3A_81 : vector<16xf32>
        %div3A_83 = arith.divf %select_n3A, %mul3A_82 : vector<16xf32>
        %add3A_84 = arith.addf %mul3A_82, %div3A_83 : vector<16xf32>
        %mul3A_85 = arith.mulf %broadcast_in_dim3A_79, %add3A_84 : vector<16xf32>
        %div3A_86 = arith.divf %select_n3A, %mul3A_85 : vector<16xf32>
        %add3A_87 = arith.addf %mul3A_85, %div3A_86 : vector<16xf32>
        %mul3A_88 = arith.mulf %broadcast_in_dim3A_79, %add3A_87 : vector<16xf32>
        %broadcast_in_dim3A_89 = arith.constant 1.000000e-07 : f32
        %broadcast_in_dim3A_90 = vector.broadcast %broadcast_in_dim3A_89 : f32 to vector<16xf32>
        %add3A_91 = arith.addf %mul3A_88, %broadcast_in_dim3A_90 : vector<16xf32>
        %div3A_92 = arith.divf %sub3A, %add3A_91 : vector<16xf32>
        %sub3A_93 = arith.subf %broadcast_in_dim3A_13, %div3A_92 : vector<16xf32>
        %mul3A_94 = arith.mulf %div3A_70, %sub3A_93 : vector<16xf32>
        %select_n3A_95 = arith.select %gt3A, %mul3A_94, %broadcast_in_dim3A_11 : vector<16xi1>, vector<16xf32>
        %add3A_96 = arith.addf %scan3A_50, %select_n3A_95 : vector<16xf32>
        scf.yield %add3A_96 : vector<16xf32>
      }
      %scan3A_42 = arith.constant 8 : i32
      %reduce_sum3A = arith.constant true
      %reduce_sum3A_43 = vector.broadcast %reduce_sum3A : i1 to vector<16xi1>
      %reduce_sum3A_44 = tpu.scan <sum>, %scan3A_41 masked %reduce_sum3A_43 : vector<16xf32>, vector<16xi1> -> vector<16xf32>
      %reduce_sum3A_45 = vector.extract %reduce_sum3A_44[15] : f32 from vector<16xf32>
      %mul3A_46 = vector.broadcast %reduce_sum3A_45 : f32 to vector<16xf32>
      %mul3A_47 = arith.mulf %broadcast_in_dim3A_13, %mul3A_46 : vector<16xf32>
      %swap3A = arith.constant 0 : index
      %swap3A_48 = tpu.vector_load %arg14[%swap3A] {strides = array<i32>} : memref<16xf32, #tpu.memory_space<vmem>>, vector<16xf32>,
      tpu.vector_store %arg14[%swap3A], %mul3A_47 {strides = array<i32>} : memref<16xf32, #tpu.memory_space<vmem>>, vector<16xf32>,
      "tpu.region"() ({
        %run_scoped3A = tpu.sem_alloc : memref<!tpu.dma_semaphore, #tpu.memory_space<semaphore_mem>>
        tpu.enqueue_dma source(%arg14 : memref<16xf32, #tpu.memory_space<vmem>>) target(%arg6 : memref<16xf32, #tpu.memory_space<hbm>>) target_semaphore(%run_scoped3A : memref<!tpu.dma_semaphore, #tpu.memory_space<semaphore_mem>>)
        tpu.wait_dma2 semaphore(%run_scoped3A : memref<!tpu.dma_semaphore, #tpu.memory_space<semaphore_mem>>) src(%arg14 : memref<16xf32, #tpu.memory_space<vmem>>) dst(%arg6 : memref<16xf32, #tpu.memory_space<hbm>>)
        tpu.yield
      }) : () -> ()
    } else {
    }
    return
  }
}

</mosaic_0001>

<sc_bundles>
// kernel: _launch.3.cloned.1.call-start
scs
__scs_entry_jumppad:
0x0: {  	(pc) =	sbr.rel $0x88, $3  }
0x1: {  	(tag) =	ssettag $0x0;
	lr =	simm.s32 $0x1  }
0x2: {  	[smem:$0x3F9E] =	sst lr;
	_ =	strace $0xD0000000  }
0x3: {  	_ = 	snop  }
0x4: {  	_ = 	snop  }
0x5: {  	_ = 	snop  }
0x6: {  	_ = 	snop  }
0x7: {  	_ = 	snop  }
__scs_overlays_trampoline_lowered:
0x8: {  	[smem:$0x3FAD] =	sst s0  }
0x9: {  	[smem:$0x3FAE] =	sst s1  }
0xa: {  	[smem:$0x3FAF] =	sst s2  }
0xb: {  	[smem:$0x3FB0] =	sst s3  }
0xc: {  	[smem:$0x3FB1] =	sst s4  }
0xd: {  	[smem:$0x3FB2] =	sst s5  }
0xe: {  	[smem:$0x3FB3] =	sst s6  }
0xf: {  	[smem:$0x3FB4] =	sst s7  }
0x10: {  	[smem:$0x3FB5] =	sst s8  }
0x11: {  	[smem:$0x3FB6] =	sst s9;
	s0 =	simm.s32 @!p0 $0x0  }
0x12: {  	s1 =	sld [smem:$0x3F9C];
	s0 =	simm.s32 @p0 $0x1  }
0x13: {  	[smem:$0x3FB7] =	sst s0;
	s0 =	simm.s32 @!p1 $0x0  }
0x14: {  	s2 =	sld [smem:$0x3F9B];
	s0 =	simm.s32 @p1 $0x1  }
0x15: {  	[smem:$0x3FB8] =	sst s0;
	s0 =	simm.s32 @!p2 $0x0  }
0x16: {  	s3 =	sld [smem:$0x3FDB];
	s0 =	simm.s32 @p2 $0x1  }
0x17: {  	s4 =	simm.s32 $0x1BF5;
	[smem:$0x3FBA] =	sst s0  }
0x18: {  	s0 =	sld [smem:$0x3F9D];
	_ =	swait.ge [sflag:s4], $0x0  }
0x19: {  	s7 =	sld [smem:$0x3F9E]  }
0x1a: {  	s8 =	sadd.s32 $0xFFFFE003, lr  }
0x1b: {  	s9 =	sadd.s32 $0xFFFFFEF7, lr;
	s5 =	simm.s32 $0xFFFFFFFF;
	p2 =	slt.u32 s8, $0xFFFFF086  }
0x1c: {  	p1 =	slt.u32 s9, $0xF7A;
	s5 =	simm.s32 @!p2 $0x0  }
0x1d: {  	s5 =	simm.s32 @p1 $0x1;
	p0 =	seq.s32 s7, s2  }
0x1e: {  	s7 =	smul.u32 @!p0 $0xF7A, s2;
	p2 =	seq.s32 @!p0 s5, $0x0  }
0x1f: {  	s9 =	smul.u32 $0xF7A, s1;
	s8 =	simm.s32 @!p0 $0x1BF5;
	p2 =	por !p2, p0  }
0x20: {  	[sflag:s8] =	ssyncset.s32 @!p0 $0xFFFFF086;
	s6 =	sadd.s32 @!p0 s3, s7;
	s7 =	simm.s32 @!p0 $0x108  }
0x21: {  	s3 =	sadd.s32 s3, s9;
	s6 =	sadd.s32 @!p0 $0x88, s6;
	s7 =	simm.s32 @p2 $0x1082  }
0x22: {  	[simem:s7], [sflag:s8] =	dma.local @!p0 [hbm:s6], $0xF7A  }
0x23: {  	s9 =	sor.u32 $0xD0000000, s2;
	s6 =	simm.s32 $0x108;
	_ =	swait.ge @!p0 [sflag:s8], $0x0  }
0x24: {  	s3 =	sadd.s32 $0x88, s3;
	s6 =	simm.s32 @!p1 $0x1082;
	[sflag:s4] =	ssyncset.s32 $0xFFFFF086  }
0x25: {  	[simem:s6], [sflag:s4] =	dma.local [hbm:s3], $0xF7A  }
0x26: {  	[smem:$0x3F9E] =	sst s1;
	(tag) =	ssettag s2;
	_ =	strace s9  }
0x27: {  	s1 =	sld [smem:$0x3FAE]  }
0x28: {  	s2 =	sld [smem:$0x3FAF]  }
0x29: {  	s4 =	sld [smem:$0x3FB1]  }
0x2a: {  	p0 =	seq.s32 s5, $0x0;
	s5 =	sld [smem:$0x3FB2]  }
0x2b: {  	s6 =	sld [smem:$0x3FB3]  }
0x2c: {  	s7 =	sld [smem:$0x3FB4]  }
0x2d: {  	s3 =	simm.s32 $0x108;
	s8 =	sld [smem:$0x3FB5]  }
0x2e: {  	s3 =	simm.s32 @!p0 $0x1082;
	s9 =	sld [smem:$0x3FB6]  }
0x2f: {  	lr =	sadd.s32 s0, s3;
	s0 =	sld [smem:$0x3FAD]  }
0x30: {  	s3 =	sld [smem:$0x3FB0]  }
0x31: {  	[smem:$0x3FB9] =	sst s10  }
0x32: {  	s10 =	sld [smem:$0x3FB7];
	_ =	sdelay $0x3  }
0x33: {  	p0 =	seq.s32 s10, $0x1;
	s10 =	sld [smem:$0x3FB9];
	_ =	sdelay $0x3  }
0x34: {  	[smem:$0x3FB9] =	sst s10  }
0x35: {  	s10 =	sld [smem:$0x3FB8];
	_ =	sdelay $0x3  }
0x36: {  	p1 =	seq.s32 s10, $0x1;
	s10 =	sld [smem:$0x3FB9];
	_ =	sdelay $0x3  }
0x37: {  	[smem:$0x3FB9] =	sst s10  }
0x38: {  	s10 =	sld [smem:$0x3FBA]  }
0x39: {  	_ = 	snop;
	(pc) =	sbr.ind lr, $3  }
0x3a: {  	_ = 	snop  }
0x3b: {  	_ = 	snop  }
0x3c: {  	p2 =	seq.s32 s10, $0x1;
	s10 =	sld [smem:$0x3FB9]  }
0x3d: {  	_ =	shalt  }
0x3e: {  	_ =	shalt  }
0x3f: {  	_ =	shalt  }
0x40: {  	_ =	shalt  }
0x41: {  	_ =	shalt  }
0x42: {  	_ =	shalt  }
0x43: {  	_ =	shalt  }
0x44: {  	_ =	shalt  }
0x45: {  	_ =	shalt  }
0x46: {  	_ =	shalt  }
0x47: {  	_ =	shalt  }
0x48: {  	_ =	shalt  }
0x49: {  	_ =	shalt  }
0x4a: {  	_ =	shalt  }
0x4b: {  	_ =	shalt  }
0x4c: {  	_ =	shalt  }
0x4d: {  	_ =	shalt  }
0x4e: {  	_ =	shalt  }
0x4f: {  	_ =	shalt  }
0x50: {  	_ =	shalt  }
0x51: {  	_ =	shalt  }
0x52: {  	_ =	shalt  }
0x53: {  	_ =	shalt  }
0x54: {  	_ =	shalt  }
0x55: {  	_ =	shalt  }
0x56: {  	_ =	shalt  }
0x57: {  	_ =	shalt  }
0x58: {  	_ =	shalt  }
0x59: {  	_ =	shalt  }
0x5a: {  	_ =	shalt  }
0x5b: {  	_ =	shalt  }
0x5c: {  	_ =	shalt  }
0x5d: {  	_ =	shalt  }
0x5e: {  	_ =	shalt  }
0x5f: {  	_ =	shalt  }
0x60: {  	_ =	shalt  }
0x61: {  	_ =	shalt  }
0x62: {  	_ =	shalt  }
0x63: {  	_ =	shalt  }
0x64: {  	_ =	shalt  }
0x65: {  	_ =	shalt  }
0x66: {  	_ =	shalt  }
0x67: {  	_ =	shalt  }
0x68: {  	_ =	shalt  }
0x69: {  	_ =	shalt  }
0x6a: {  	_ =	shalt  }
0x6b: {  	_ =	shalt  }
0x6c: {  	_ =	shalt  }
0x6d: {  	_ =	shalt  }
0x6e: {  	_ =	shalt  }
0x6f: {  	_ =	shalt  }
0x70: {  	_ =	shalt  }
0x71: {  	_ =	shalt  }
0x72: {  	_ =	shalt  }
0x73: {  	_ =	shalt  }
0x74: {  	_ =	shalt  }
0x75: {  	_ =	shalt  }
0x76: {  	_ =	shalt  }
0x77: {  	_ =	shalt  }
0x78: {  	_ =	shalt  }
0x79: {  	_ =	shalt  }
0x7a: {  	_ =	shalt  }
0x7b: {  	_ =	shalt  }
0x7c: {  	_ =	shalt  }
0x7d: {  	_ =	shalt  }
0x7e: {  	_ =	shalt  }
0x7f: {  	_ =	shalt  }
0x80: {  	_ =	shalt  }
0x81: {  	_ =	shalt  }
0x82: {  	_ =	shalt  }
0x83: {  	_ =	shalt  }
0x84: {  	_ =	shalt  }
0x85: {  	_ =	shalt  }
0x86: {  	_ =	shalt  }
0x87: {  	_ =	shalt  }
.Lfunc_end0:
.L_simem_size_0:
called_computation_lowered:
.L_overlay_start_0:
0x88: {  	s0 =	sld [smem:$0x3FD9]  }
0x89: {  	s1 =	sld [smem:$0x3FFE];
	_ =	sdelay $0x3  }
0x8a: {  	s0 =	sadd.s32 s1, s0  }
0x8b: {  	[smem:$0x3FC5] =	sst s0  }
0x8c: {  	_ = 	snop  }
0x8d: {  	s0 =	sld [smem:$0x3FC9]  }
0x8e: {  	s16 =	sld [smem:$0x3FC8]  }
0x8f: {  	s2 =	sld [smem:$0x3FC7]  }
0x90: {  	s3 =	sld [smem:$0x3FD0];
	(tm) =	ssettm $0x1  }
0x91: {  	s4 =	sld [smem:$0x3FFB];
	_ =	sdelay $0x3  }
0x92: {  	_ =	strace s4  }
0x93: {  	s4 =	sld [smem:$0x3FFC];
	_ =	sdelay $0x3  }
0x94: {  	_ =	strace s4  }
0x95: {  	s4 =	sld [smem:$0x3FFD];
	_ =	sdelay $0x3  }
0x96: {  	_ =	strace s4  }
0x97: {  	_ =	strace $0x8FFFFFFF  }
0x98: {  	s17 =	sld [smem:$0x3FDB];
	_ =	sdelay $0x1  }
0x99: {  	s5 =	simm.s32 $_scs_section_size  }
0x9a: {  	s6 =	simm.s32 $_size__tile_overlayer_lowered;
	s7 =	simm.s32 $_tile_overlayer_lowered  }
0x9b: {  	s20 =	simm.s32 $0x1BFF;
	s19 =	sshll.u32 s7, $0x1;
	s4 =	sadd.s32 s5, s17  }
0x9c: {  	s8 =	simm.s32 $0x0;
	s18 =	sshll.u32 s6, $0x1;
	s6 =	sadd.s32 s19, s4  }
0x9d: {  	[timem:s8], [sflag:s20] =	dma.local [hbm:s6], s18  }
0x9e: {  	_ =	swait.ge [sflag:s20], s18  }
0x9f: {  	s5 =	ssub.s32 $0x0, s18;
	[sflag:s20] =	ssyncset.done $0x0  }
0xa0: {  	[sflag:s20] =	ssyncadd.s32 s5;
	_ =	sdelay $0x1  }
0xa1: {  	s21 =	simm.s32 $0x1B8B  }
0xa2: {  	_ =	swait.ge [sflag:s21], $0x1  }
0xa3: {  	[sflag:s21] =	ssyncset.done $0x0  }
0xa4: {  	s23 =	simm.s32 $0x1B8E;
	s22 =	sld [smem:$0x3FFE];
	[sflag:s21] =	ssyncadd.s32 $0xFFFFFFFF  }
0xa5: {  	s24 =	simm.s32 $execute0_lowered;
	[smem:$0x3FD2] =	sst s23  }
0xa6: {  	s6 =	sshll.u32 s24, $0x1;
	_ =	strace $0x80000046;
	[dreg:$0x1] =	wrdreg $0xFFFFFFFF  }
0xa7: {  	s25 =	simm.s32 $_size_execute0_lowered;
	s4 =	sadd.s32 s4, s6;
	[dreg:$0x0] =	wrdreg $0x0  }
0xa8: {  	s6 =	sshll.u32 s25, $0x1;
	[dreg:$0x2] =	wrdreg s4  }
0xa9: {  	[dreg:$0x3] =	wrdreg s6  }
0xaa: {  	[dreg:$0x4] =	wrdreg $0xC0  }
0xab: {  	_ =	task [dreg:s8], $0x5FFFF  }
0xac: {  	[dreg:$0x1] =	wrdreg $0xFFFFFFFF  }
0xad: {  	[dreg:$0x0] =	wrdreg $0x60  }
0xae: {  	[dreg:$0x2] =	wrdreg s0  }
0xaf: {  	[dreg:$0x3] =	wrdreg s16  }
0xb0: {  	[dreg:$0x4] =	wrdreg s2  }
0xb1: {  	[dreg:$0x5] =	wrdreg s22  }
0xb2: {  	[dreg:$0x6] =	wrdreg s3  }
0xb3: {  	[dreg:$0x7] =	wrdreg $0x67000  }
0xb4: {  	[dreg:$0x8] =	wrdreg $0x9  }
0xb5: {  	_ =	task.clear_ibuf [dreg:s8], $0x9FFFF;
	_ =	strace $0x90000046  }
0xb6: {  	s26 =	simm.s32 $0x9;
	_ =	strace $0x80000048  }
0xb7: {  	_ =	swait.ge [sflag:s26], $0x1  }
0xb8: {  	[sflag:s26] =	ssyncadd.s32 $0xFFFFFFFF  }
0xb9: {  	_ =	strace $0x90000048  }
0xba: {  	_ =	sfence  }
0xbb: {  	s28 =	sld [smem:$0x0];
	_ =	sdelay $0x1  }
0xbc: {  	s29 =	srdreg.scid  }
0xbd: {  	s30 =	sshll.u32 s29, $0xD;
	s31 =	sshrl.u32 s29, $0x2  }
0xbe: {  	s1 =	sand.u32 $0x1, s29;
	s2 =	sand.u32 $0x4000, s30;
	s0 =	sadd.s32 s31, s28  }
0xbf: {  	s1 =	sor.u32 s2, s1;
	s0 =	sshll.u32 s0, $0x11  }
0xc0: {  	s0 =	sor.u32 s0, s1  }
0xc1: {  	s0 =	sadd.s32 $0x8F2B, s0  }
0xc2: {  	[sflag:s0] =	ssyncadd.remote.s32 $0x1  }
0xc3: {  	_ =	sfence.sel $0xFFFF  }
0xc4: {  	[dreg:$0x0] =	wrdreg $0xFFFFFFFF;
	(pc) =	sbr.abs _section_cstart, $3  }
0xc5: {  	[dreg:$0x1] =	wrdreg $0xFFFFFFFF  }
0xc6: {  	_ =	task.clear_ibuf [dreg:s8], $0x2FFFF;
	_ =	strace $0x9FFFFFFF  }
0xc7: {  	(tm) =	ssettm $0x7FFFFFFF  }
tec
execute0_lowered:
.L_overlay_start_1:
0x0: {  	(tag) =	ssettag $0x1  }
0x1: {  	s5 =	rddreg [dreg:$0x0]  }
0x2: {  	s6 =	rddreg [dreg:$0x1]  }
0x3: {  	s7 =	rddreg [dreg:$0x2]  }
0x4: {  	s8 =	rddreg [dreg:$0x3]  }
0x5: {  	s2 =	rddreg [dreg:$0x4]  }
0x6: {  	s3 =	rddreg [dreg:$0x5];
	s4 =	simm.s32 $0x0;
	s1 =	stileid.u32  }
0x7: {  	[smem:$0x7FF] =	sst s4;
	s9 =	sshll.u32 s1, $0x8  }
0x8: {  	s0 =	rddreg [dreg:$0x6];
	_ =	strace $0x80000047;
	s5 =	sadd.s32 s5, s9  }
0x9: {  	[tilespmem:s4], [sflag:$0x1] =	stream.linear.gather [hbm4b:s5+s4], $0x800, $0x38;
	[tilespmem:$0x6A00] =	vst v63  }
0xa: {  	s23 =	simm.s32 $0x800;
	s22 =	sadd.s32 s6, s9  }
0xb: {  	[tilespmem:s23], [sflag:$0x2] =	stream.linear.gather [hbm4b:s22+s4], $0x800, $0x38;
	[tilespmem:$0x6A00] =	vst v63  }
0xc: {  	s25 =	simm.s32 $0x1000;
	s24 =	sadd.s32 s7, s9  }
0xd: {  	[tilespmem:s25], [sflag:$0x3] =	stream.linear.gather [hbm4b:s24+s4], $0x800, $0x38;
	[tilespmem:$0x6A00] =	vst v63  }
0xe: {  	s28 =	simm.s32 $0x1;
	s26 =	sadd.s32 $0x400, s8;
	s5 =	simm.s32 $0x1800  }
0xf: {  	[tilespmem:s5], [sflag:$0x4] =	stream.linear.gather [hbm4b:s26+s4], $0x3080, $0x38;
	[tilespmem:$0x6A00] =	vst v63  }
0x10: {  	_ =	swait.ge [sflag:s28], $0x800  }
0x11: {  	[sflag:s28] =	ssyncset.done $0x0  }
0x12: {  	s29 =	simm.s32 $0x2;
	[sflag:s28] =	ssyncadd.s32 $0xFFFFF800  }
0x13: {  	_ =	swait.ge [sflag:s29], $0x800  }
0x14: {  	[sflag:s29] =	ssyncset.done $0x0  }
0x15: {  	s30 =	simm.s32 $0x3;
	[sflag:s29] =	ssyncadd.s32 $0xFFFFF800  }
0x16: {  	_ =	swait.ge [sflag:s30], $0x800  }
0x17: {  	v0 =	vlaneseq.u32;
	[sflag:s30] =	ssyncset.done $0x0  }
0x18: {  	s31 =	simm.s32 $0x4;
	v0 =	vmul.u32 $0x81, v0;
	[sflag:s30] =	ssyncadd.s32 $0xFFFFF800  }
0x19: {  	_ =	swait.ge [sflag:s31], $0x3080  }
0x1a: {  	v1 =	vimm.f32 $1.000000000e+00;
	v2 =	vadd.s32 $0x810, v0;
	v3 =	vadd.s32 $0x1020, v0;
	[sflag:s31] =	ssyncset.done $0x0  }
0x1b: {  	s6 =	simm.s32 $0x0;
	v4 =	vadd.s32 $0x1830, v0;
	v5 =	vadd.s32 $0x2040, v0;
	v6 =	vadd.s32 $0x2850, v0;
	[sflag:s31] =	ssyncadd.s32 $0xFFFFCF80  }
.LBB2_1:
0x1c: {  	s7 =	sshra.s32 s6, $0x2  }
0x1d: {  	v7 =	vld [tilespmem:s7+$0x1000];
	_ =	sdelay $0x4  }
0x1e: {  	v8 =	vadd.s32 v0, v7  }
0x1f: {  	v9 =	vld [tilespmem:s7+$0x0];
	v10 =	vadd.s32 v2, v7  }
0x20: {  	v11 =	vld [tilespmem:s7+$0x800];
	v12 =	vadd.s32 v3, v7  }
0x21: {  	v13 =	vadd.s32 v4, v7  }
0x22: {  	v14 =	vadd.s32 v5, v7  }
0x23: {  	v7 =	vadd.s32 v6, v7;
	[tilespmem:v8+s5+$0x0] =	vst.idx.add.f32.msk $0xffff, v1  }
0x24: {  	v8 =	vmul.f32 v9, v9;
	[tilespmem:v10+s5+$0x0] =	vst.idx.add.f32.msk $0xffff, v9  }
0x25: {  	v42 =	vmul.f32 v11, v11;
	[tilespmem:v12+s5+$0x0] =	vst.idx.add.f32.msk $0xffff, v11  }
0x26: {  	[tilespmem:v13+s5+$0x0] =	vst.idx.add.f32.msk $0xffff, v8;
	v8 =	vmul.f32 v11, v9  }
0x27: {  	[tilespmem:v14+s5+$0x0] =	vst.idx.add.f32.msk $0xffff, v42  }
0x28: {  	[tilespmem:v7+s5+$0x0] =	vst.idx.add.f32.msk $0xffff, v8  }
0x29: {  	v7 =	vld [tilespmem:s7+$0x1010];
	_ =	sdelay $0x4  }
0x2a: {  	v8 =	vadd.s32 v0, v7  }
0x2b: {  	v43 =	vld [tilespmem:s7+$0x10];
	v44 =	vadd.s32 v2, v7  }
0x2c: {  	v45 =	vld [tilespmem:s7+$0x810];
	v46 =	vadd.s32 v3, v7  }
0x2d: {  	v47 =	vadd.s32 v4, v7  }
0x2e: {  	v48 =	vadd.s32 v5, v7  }
0x2f: {  	v7 =	vadd.s32 v6, v7;
	[tilespmem:v8+s5+$0x0] =	vst.idx.add.f32.msk $0xffff, v1  }
0x30: {  	v8 =	vmul.f32 v43, v43;
	[tilespmem:v44+s5+$0x0] =	vst.idx.add.f32.msk $0xffff, v43  }
0x31: {  	v49 =	vmul.f32 v45, v45;
	[tilespmem:v46+s5+$0x0] =	vst.idx.add.f32.msk $0xffff, v45  }
0x32: {  	[tilespmem:v47+s5+$0x0] =	vst.idx.add.f32.msk $0xffff, v8;
	v8 =	vmul.f32 v45, v43  }
0x33: {  	[tilespmem:v48+s5+$0x0] =	vst.idx.add.f32.msk $0xffff, v49  }
0x34: {  	[tilespmem:v7+s5+$0x0] =	vst.idx.add.f32.msk $0xffff, v8  }
0x35: {  	v7 =	vld [tilespmem:s7+$0x1020];
	_ =	sdelay $0x4  }
0x36: {  	v8 =	vadd.s32 v0, v7  }
0x37: {  	v50 =	vld [tilespmem:s7+$0x20];
	v51 =	vadd.s32 v2, v7  }
0x38: {  	v52 =	vld [tilespmem:s7+$0x820];
	v53 =	vadd.s32 v3, v7  }
0x39: {  	v54 =	vadd.s32 v4, v7  }
0x3a: {  	v55 =	vadd.s32 v5, v7  }
0x3b: {  	v7 =	vadd.s32 v6, v7;
	[tilespmem:v8+s5+$0x0] =	vst.idx.add.f32.msk $0xffff, v1  }
0x3c: {  	v8 =	vmul.f32 v50, v50;
	[tilespmem:v51+s5+$0x0] =	vst.idx.add.f32.msk $0xffff, v50  }
0x3d: {  	v56 =	vmul.f32 v52, v52;
	[tilespmem:v53+s5+$0x0] =	vst.idx.add.f32.msk $0xffff, v52  }
0x3e: {  	[tilespmem:v54+s5+$0x0] =	vst.idx.add.f32.msk $0xffff, v8;
	v8 =	vmul.f32 v52, v50  }
0x3f: {  	[tilespmem:v55+s5+$0x0] =	vst.idx.add.f32.msk $0xffff, v56  }
0x40: {  	[tilespmem:v7+s5+$0x0] =	vst.idx.add.f32.msk $0xffff, v8  }
0x41: {  	v7 =	vld [tilespmem:s7+$0x1030];
	_ =	sdelay $0x4  }
0x42: {  	v8 =	vadd.s32 v0, v7  }
0x43: {  	v57 =	vld [tilespmem:s7+$0x30];
	v58 =	vadd.s32 v2, v7  }
0x44: {  	v59 =	vld [tilespmem:s7+$0x830];
	v60 =	vadd.s32 v3, v7  }
0x45: {  	v61 =	vadd.s32 v4, v7  }
0x46: {  	v62 =	vadd.s32 v5, v7  }
0x47: {  	p0 =	sne.s32 s6, $0x1F00;
	v7 =	vadd.s32 v6, v7;
	[tilespmem:v8+s5+$0x0] =	vst.idx.add.f32.msk $0xffff, v1  }
.Ltmp0:
0x48: {  	v8 =	vmul.f32 v57, v57;
	[tilespmem:v58+s5+$0x0] =	vst.idx.add.f32.msk $0xffff, v57;
	(pc) =	sbr.rel @p0 .LBB2_1-.Ltmp0, $4  }
0x49: {  	v63 =	vmul.f32 v59, v59;
	[tilespmem:v60+s5+$0x0] =	vst.idx.add.f32.msk $0xffff, v59  }
0x4a: {  	[tilespmem:v61+s5+$0x0] =	vst.idx.add.f32.msk $0xffff, v8;
	v8 =	vmul.f32 v59, v57  }
0x4b: {  	[tilespmem:v62+s5+$0x0] =	vst.idx.add.f32.msk $0xffff, v63  }
0x4c: {  	s6 =	sadd.s32 $0x100, s6;
	[tilespmem:v7+s5+$0x0] =	vst.idx.add.f32.msk $0xffff, v8  }
0x4d: {  	s5 =	simm.s32 $0x0  }
0x4e: {  	s6 =	smul.u32 $0x2040, s5;
	_ =	sdelay $0x1  }
0x4f: {  	s5 =	sand.u32 $0x70, s4;
	s6 =	sshra.s32 s6, $0x2  }
0x50: {  	s8 =	sadd.s32 s5, s6  }
0x51: {  	v0 =	vld [tilespmem:s8+$0x1881]  }
0x52: {  	v1 =	vld [tilespmem:s8+$0x1800]  }
0x53: {  	v2 =	vld [tilespmem:s8+$0x1902]  }
0x54: {  	v3 =	vld [tilespmem:s8+$0x1983]  }
0x55: {  	v4 =	vld [tilespmem:s8+$0x1A04]  }
0x56: {  	v5 =	vld [tilespmem:s8+$0x1A85]  }
0x57: {  	v6 =	vld [tilespmem:s8+$0x1B06]  }
0x58: {  	v7 =	vld [tilespmem:s8+$0x1B87]  }
0x59: {  	v8 =	vld [tilespmem:s8+$0x1C08]  }
0x5a: {  	v9 =	vld [tilespmem:s8+$0x1C89]  }
0x5b: {  	s7 =	simm.s32 $0x0;
	s6 =	simm.s32 $0x1;
	v10 =	vld [tilespmem:s8+$0x1D0A]  }
.LBB2_3:
0x5c: {  	p0 =	sne.s32 s6, $0x2F;
	v11 =	vld [tilespmem:s8+$0x1D8B]  }
0x5d: {  	v12 =	vld [tilespmem:s8+$0x1E0C]  }
0x5e: {  	v13 =	vld [tilespmem:s8+$0x1E8D]  }
0x5f: {  	v14 =	vld [tilespmem:s8+$0x1F0E]  }
0x60: {  	v15 =	vld [tilespmem:s8+$0x1F8F];
	_ =	sdelay $0x1  }
0x61: {  	v0 =	vadd.f32 v0, v1;
	v1 =	vadd.f32 v3, v2  }
0x62: {  	v2 =	vadd.f32 v5, v4;
	v3 =	vadd.f32 v7, v6  }
0x63: {  	v4 =	vadd.f32 v9, v8;
	v5 =	vadd.f32 v11, v10  }
0x64: {  	v6 =	vadd.f32 v13, v12;
	v7 =	vadd.f32 v15, v14  }
0x65: {  	v0 =	vadd.f32 v1, v0;
	v1 =	vadd.f32 v3, v2  }
0x66: {  	v2 =	vadd.f32 v5, v4;
	v3 =	vadd.f32 v7, v6;
	_ =	sdelay $0x1  }
0x67: {  	s8 =	sshrl.u32 s6, $0x3;
	v0 =	vadd.f32 v1, v0;
	v1 =	vadd.f32 v3, v2  }
0x68: {  	s9 =	sshll.u32 s4, $0x4;
	s4 =	smov.u32 s6;
	s8 =	smul.u32 $0x2040, s8  }
0x69: {  	s7 =	sadd.s32 $0x10, s7;
	s9 =	sand.u32 $0x3FFFFF80, s9;
	v0 =	vadd.f32 v1, v0  }
0x6a: {  	s9 =	sor.u32 s5, s9;
	s5 =	sand.u32 $0x70, s7;
	s8 =	sshra.s32 s8, $0x2  }
0x6b: {  	s8 =	sadd.s32 s5, s8;
	[tilespmem:s9+$0x4880] =	vst v0  }
0x6c: {  	v0 =	vld [tilespmem:s8+$0x1881]  }
0x6d: {  	v1 =	vld [tilespmem:s8+$0x1800]  }
0x6e: {  	v2 =	vld [tilespmem:s8+$0x1902]  }
0x6f: {  	v3 =	vld [tilespmem:s8+$0x1983]  }
0x70: {  	v4 =	vld [tilespmem:s8+$0x1A04]  }
0x71: {  	v5 =	vld [tilespmem:s8+$0x1A85]  }
.Ltmp1:
0x72: {  	v6 =	vld [tilespmem:s8+$0x1B06];
	(pc) =	sbr.rel @p0 .LBB2_3-.Ltmp1, $4  }
0x73: {  	v7 =	vld [tilespmem:s8+$0x1B87]  }
0x74: {  	v8 =	vld [tilespmem:s8+$0x1C08]  }
0x75: {  	v9 =	vld [tilespmem:s8+$0x1C89]  }
0x76: {  	s6 =	sadd.s32 $0x1, s6;
	v10 =	vld [tilespmem:s8+$0x1D0A]  }
0x77: {  	v11 =	vld [tilespmem:s8+$0x1D8B]  }
0x78: {  	v12 =	vld [tilespmem:s8+$0x1E0C]  }
0x79: {  	v13 =	vld [tilespmem:s8+$0x1E8D]  }
0x7a: {  	v14 =	vld [tilespmem:s8+$0x1F0E]  }
0x7b: {  	v15 =	vld [tilespmem:s8+$0x1F8F];
	_ =	sdelay $0x1  }
0x7c: {  	v0 =	vadd.f32 v0, v1;
	v53 =	vadd.f32 v3, v2  }
0x7d: {  	v54 =	vadd.f32 v5, v4;
	v55 =	vadd.f32 v7, v6  }
0x7e: {  	v56 =	vadd.f32 v9, v8;
	v57 =	vadd.f32 v11, v10  }
0x7f: {  	v58 =	vadd.f32 v13, v12;
	v59 =	vadd.f32 v15, v14  }
0x80: {  	v0 =	vadd.f32 v53, v0;
	v60 =	vadd.f32 v55, v54  }
0x81: {  	v61 =	vadd.f32 v57, v56;
	v62 =	vadd.f32 v59, v58  }
0x82: {  	s6 =	sshrl.u32 s1, $0x3  }
0x83: {  	s4 =	sshll.u32 s4, $0x4;
	s6 =	smul.u32 $0x6000, s6;
	v0 =	vadd.f32 v60, v0;
	v63 =	vadd.f32 v62, v61  }
0x84: {  	s7 =	sshll.u32 s1, $0x7;
	s31 =	simm.s32 $0x4880;
	s8 =	simm.s32 $0x5  }
0x85: {  	p0 =	slt.u32 s1, $0x8;
	s4 =	sand.u32 $0x3FFFFF80, s4;
	s29 =	sshrl.u32 s6, $0x2;
	v0 =	vadd.f32 v63, v0  }
0x86: {  	s5 =	sor.u32 s5, s4;
	s6 =	sand.u32 $0x380, s7;
	s30 =	sadd.s32 s29, s3  }
0x87: {  	s7 =	simm.s32 $0x400;
	s4 =	sadd.s32 s6, s30;
	[tilespmem:s5+$0x4880] =	vst v0;
	s5 =	simm.s32 $0x80  }
0x88: {  	[spmem:s4] =	stream.strided.scatter [tilespmem:s31], [sflag:$0x5], $0x300, s7, s5, $0x38;
	[tilespmem:$0x6A00] =	vst v63  }
.Ltmp2:
0x89: {  	_ =	swait.ge [sflag:s8], $0x300;
	(pc) =	sbr.rel @!p0 .LBB2_5-.Ltmp2, $3  }
0x8a: {  	[sflag:s8] =	ssyncset.done $0x0  }
0x8b: {  	[sflag:s8] =	ssyncadd.s32 $0xFFFFFD00  }
0x8c: {  	[bflag:$0x0] =	sbarrier.arrive $0xFFFF;
	_ =	sdelay $0x1  }
0x8d: {  	s6 =	sadd.s32 s6, s3  }
0x8e: {  	s9 =	simm.s32 $0x4B80;
	s6 =	sadd.s32 $0x1800, s6  }
0x8f: {  	[tilespmem:s9], [sflag:$0x5] =	stream.strided.gather [spmem:s6], $0x300, s7, s5, $0x38;
	[tilespmem:$0x6A00] =	vst v63  }
0x90: {  	_ =	swait.ge [sflag:s8], $0x300  }
0x91: {  	[sflag:s8] =	ssyncset.done $0x0  }
0x92: {  	s5 =	simm.s32 $0x0;
	[sflag:s8] =	ssyncadd.s32 $0xFFFFFD00  }
0x93: {  	s6 =	simm.s32 $0x40;
	v0 =	vld [tilespmem:s5+$0x4B80]  }
.LBB2_7:
0x94: {  	p0 =	sne.s32 s6, $0xBC0;
	v1 =	vld [tilespmem:s5+$0x4880];
	_ =	sdelay $0x2  }
.Ltmp3:
0x95: {  	(pc) =	sbr.rel @p0 .LBB2_7-.Ltmp3, $4  }
0x96: {  	_ = 	snop  }
0x97: {  	v1 =	vadd.f32 v0, v1  }
0x98: {  	s7 =	sshra.s32 s6, $0x2  }
0x99: {  	s6 =	sadd.s32 $0x40, s6;
	v0 =	vld [tilespmem:s7+$0x4B80];
	[tilespmem:s5+$0x4880] =	vst v1;
	s5 =	smov.u32 s7  }
0x9a: {  	v1 =	vld [tilespmem:s5+$0x4880];
	_ =	sdelay $0x4  }
0x9b: {  	v0 =	vadd.f32 v0, v1;
	_ =	sdelay $0x1  }
0x9c: {  	s31 =	simm.s32 $0x80;
	s6 =	simm.s32 $0x400;
	s7 =	simm.s32 $0x4880;
	[tilespmem:s5+$0x4880] =	vst v0  }
0x9d: {  	[spmem:s4] =	stream.strided.scatter [tilespmem:s7], [sflag:$0x5], $0x300, s6, s31, $0x38;
	[tilespmem:$0x6A00] =	vst v63  }
0x9e: {  	s4 =	simm.s32 $0x5  }
0x9f: {  	_ =	swait.ge [sflag:s4], $0x300  }
0xa0: {  	[sflag:s4] =	ssyncset.done $0x0  }
0xa1: {  	[sflag:s4] =	ssyncadd.s32 $0xFFFFFD00  }
0xa2: {  	p0 =	sne.s32 s1, $0x0;
	[bflag:$0x0] =	sbarrier.arrive $0xFFFF  }
0xa3: {  	_ =	sfence.sel @p0 $0x180000  }
0xa4: {  	[bflag:$0x0] =	sbarrier.arrive @p0 $0xFFFF  }
0xa5: {  	_ =	strace @p0 $0x90000047  }
0xa6: {  	[bflag:$0x2] =	sbarrier.arrive @p0 $0xFFFF  }
0xa7: {  	_ =	shalt @p0  }
.LBB2_9:
0xa8: {  	s5 =	simm.s32 $0x4E80  }
0xa9: {  	[tilespmem:s5], [sflag:$0x5] =	stream.linear.gather [spmem:s3], $0x1800, $0x38;
	[tilespmem:$0x6A00] =	vst v63  }
0xaa: {  	_ =	swait.ge [sflag:s4], $0x1800  }
0xab: {  	[sflag:s4] =	ssyncset.done $0x0  }
0xac: {  	s31 =	simm.s32 $0xFFFFFF80;
	[sflag:s4] =	ssyncadd.s32 $0xFFFFE800  }
0xad: {  	v0 =	vld [tilespmem:s31+$0x5D80]  }
0xae: {  	v1 =	vld [tilespmem:s31+$0x6180]  }
0xaf: {  	v2 =	vld [tilespmem:s31+$0x5D00]  }
0xb0: {  	v3 =	vld [tilespmem:s31+$0x6100]  }
0xb1: {  	v4 =	vld [tilespmem:s31+$0x5C80]  }
0xb2: {  	v5 =	vld [tilespmem:s31+$0x6080]  }
0xb3: {  	v6 =	vld [tilespmem:s31+$0x5C00]  }
0xb4: {  	v7 =	vld [tilespmem:s31+$0x6000]  }
0xb5: {  	v8 =	vld [tilespmem:s31+$0x5B80]  }
0xb6: {  	v9 =	vld [tilespmem:s31+$0x5F80]  }
0xb7: {  	v10 =	vld [tilespmem:s31+$0x5480]  }
0xb8: {  	v11 =	vld [tilespmem:s31+$0x5B00]  }
0xb9: {  	v12 =	vld [tilespmem:s31+$0x4F00]  }
0xba: {  	v13 =	vld [tilespmem:s31+$0x5F00]  }
0xbb: {  	v14 =	vld [tilespmem:s31+$0x4F80]  }
0xbc: {  	v15 =	vld [tilespmem:s31+$0x5400]  }
0xbd: {  	v16 =	vld [tilespmem:s31+$0x5000]  }
0xbe: {  	v17 =	vld [tilespmem:s31+$0x5380];
	v12 =	vadd.f32 $0.0e+00, v12  }
0xbf: {  	v18 =	vld [tilespmem:s31+$0x5080]  }
0xc0: {  	v19 =	vld [tilespmem:s31+$0x5300];
	v12 =	vadd.f32 v14, v12  }
0xc1: {  	v14 =	vld [tilespmem:s31+$0x5100]  }
0xc2: {  	v20 =	vld [tilespmem:s31+$0x5700];
	v12 =	vadd.f32 v16, v12  }
0xc3: {  	v16 =	vld [tilespmem:s31+$0x5180]  }
0xc4: {  	v21 =	vld [tilespmem:s31+$0x5780];
	v12 =	vadd.f32 v18, v12  }
0xc5: {  	v22 =	vld [tilespmem:s31+$0x5800];
	v19 =	vadd.f32 $0.0e+00, v19;
	v11 =	vadd.f32 $0.0e+00, v11  }
0xc6: {  	v13 =	vadd.f32 $0.0e+00, v13;
	v18 =	vld [tilespmem:s31+$0x5200];
	v12 =	vadd.f32 v14, v12  }
0xc7: {  	v23 =	vld [tilespmem:s31+$0x5880];
	v8 =	vadd.f32 v8, v11;
	v14 =	vadd.f32 $0.0e+00, v20  }
0xc8: {  	v20 =	vld [tilespmem:s31+$0x5280];
	v12 =	vadd.f32 v16, v12;
	v16 =	vadd.f32 v17, v19  }
0xc9: {  	v9 =	vadd.f32 v9, v13;
	v6 =	vadd.f32 v6, v8;
	v17 =	vld [tilespmem:s31+$0x5500]  }
0xca: {  	v11 =	vld [tilespmem:s31+$0x5900];
	v14 =	vadd.f32 v21, v14;
	v15 =	vadd.f32 v15, v16  }
0xcb: {  	v7 =	vadd.f32 v7, v9;
	v12 =	vadd.f32 v18, v12;
	v16 =	vld [tilespmem:s31+$0x5580]  }
0xcc: {  	v13 =	vld [tilespmem:s31+$0x5980];
	v14 =	vadd.f32 v22, v14;
	v10 =	vadd.f32 v10, v15  }
0xcd: {  	v8 =	vld [tilespmem:s31+$0x5A00];
	v4 =	vadd.f32 v4, v6;
	v12 =	vadd.f32 v20, v12  }
0xce: {  	v6 =	vld [tilespmem:s31+$0x5A80];
	v14 =	vadd.f32 v23, v14;
	v10 =	vadd.f32 v17, v10  }
0xcf: {  	v5 =	vadd.f32 v5, v7;
	v15 =	vld [tilespmem:s31+$0x5600];
	v9 =	vmax.f32 v12, $1.000000000e+00  }
0xd0: {  	v11 =	vadd.f32 v11, v14;
	(erf) = vrcp.f32 v9;
	v7 =	vadd.f32 v16, v10;
	v10 =	vld [tilespmem:s31+$0x5E00]  }
0xd1: {  	v2 =	vadd.f32 v2, v4;
	v14 =	vld [tilespmem:s31+$0x5680]  }
0xd2: {  	v9 =	vadd.f32 v13, v11  }
0xd3: {  	v3 =	vadd.f32 v3, v5;
	v5 =	vld [tilespmem:s31+$0x6200];
	v0 =	vadd.f32 v0, v2  }
0xd4: {  	v4 =	vadd.f32 v15, v7;
	v7 =	vadd.f32 v8, v9;
	v8 =	vld [tilespmem:s31+$0x5E80]  }
0xd5: {  	v1 =	vadd.f32 v1, v3;
	v9 =	vld [tilespmem:s31+$0x6280];
	v0 =	vadd.f32 v10, v0  }
0xd6: {  	v3 =	vadd.f32 v14, v4;
	v4 =	vadd.f32 v6, v7;
	_ =	sdelay $0x1  }
0xd7: {  	v1 =	vadd.f32 v5, v1;
	v5 =	vmul.f32 v3, v3;
	v6 =	vmul.f32 v4, v4  }
0xd8: {  	v2 =	vadd.f32 v8, v0;
	v0 =	vpop (erf)  }
0xd9: {  	v1 =	vadd.f32 v9, v1;
	v5 =	vmul.f32 v0, v5;
	v6 =	vmul.f32 v6, v0;
	_ =	sdelay $0x1  }
0xda: {  	s3 =	simm.s32 $0xFFFFFF90;
	v5 =	vsub.f32 v2, v5;
	v6 =	vsub.f32 v1, v6  }
0xdb: {  	v24 =	vld [tilespmem:s3+$0x5380]  }
0xdc: {  	v26 =	vld [tilespmem:s3+$0x5080];
	v5 =	vmax.f32 v5, $0.0e+00;
	v6 =	vmax.f32 v6, $0.0e+00  }
0xdd: {  	v27 =	vld [tilespmem:s3+$0x5300];
	v5 =	vmul.f32 v6, v5  }
0xde: {  	v28 =	vld [tilespmem:s3+$0x5100];
	vm0 =	vgt.f32 v12, $0.0e+00  }
0xdf: {  	v29 =	vld [tilespmem:s3+$0x5180];
	v5 =	vnsel vm0, $0x3F800000, v5  }
0xe0: {  	v30 =	vld [tilespmem:s3+$0x5200];
	v13 =	vshra.s32 v5, $0x1  }
0xe1: {  	v31 =	vld [tilespmem:s3+$0x5280];
	v13 =	vadd.s32 $0x1FBD1DF6, v13  }
0xe2: {  	v32 =	vld [tilespmem:s3+$0x5500];
	v27 =	vadd.f32 $0.0e+00, v27;
	(erf) = vrcp.f32 v13  }
0xe3: {  	v63 =	vld [tilespmem:s3+$0x5900]  }
0xe4: {  	v24 =	vadd.f32 v24, v27;
	v27 =	vld [tilespmem:s3+$0x5580]  }
0xe5: {  	v19 =	vld [tilespmem:s3+$0x4F00]  }
0xe6: {  	v21 =	vld [tilespmem:s3+$0x4F80]  }
0xe7: {  	v18 =	vld [tilespmem:s3+$0x5B00]  }
0xe8: {  	v22 =	vld [tilespmem:s3+$0x5400]  }
0xe9: {  	v20 =	vld [tilespmem:s3+$0x5F00]  }
0xea: {  	v23 =	vld [tilespmem:s3+$0x5000]  }
0xeb: {  	v19 =	vadd.f32 $0.0e+00, v19;
	v12 =	vld [tilespmem:s3+$0x5C00];
	v25 =	vpop (erf)  }
0xec: {  	v17 =	vld [tilespmem:s3+$0x5480];
	v25 =	vmul.f32 v25, v5  }
0xed: {  	v19 =	vadd.f32 v21, v19;
	v21 =	vld [tilespmem:s3+$0x5780]  }
0xee: {  	v22 =	vadd.f32 v22, v24;
	v24 =	vld [tilespmem:s3+$0x5A00];
	v13 =	vadd.f32 v13, v25  }
0xef: {  	v11 =	vld [tilespmem:s3+$0x6080]  }
0xf0: {  	v25 =	vld [tilespmem:s3+$0x5700];
	v13 =	vmul.f32 $5.000000000e-01, v13  }
0xf1: {  	v16 =	vld [tilespmem:s3+$0x5F80];
	v19 =	vadd.f32 v23, v19  }
0xf2: {  	v23 =	vld [tilespmem:s3+$0x5800];
	(erf) = vrcp.f32 v13  }
0xf3: {  	v15 =	vld [tilespmem:s3+$0x5B80];
	v19 =	vadd.f32 v26, v19  }
0xf4: {  	v26 =	vld [tilespmem:s3+$0x5880];
	v17 =	vadd.f32 v17, v22  }
0xf5: {  	v22 =	vld [tilespmem:s3+$0x5A80];
	v19 =	vadd.f32 v28, v19;
	v25 =	vadd.f32 $0.0e+00, v25  }
0xf6: {  	v18 =	vadd.f32 $0.0e+00, v18;
	v7 =	vld [tilespmem:s3+$0x5D80]  }
0xf7: {  	v14 =	vld [tilespmem:s3+$0x6000];
	v19 =	vadd.f32 v29, v19;
	v21 =	vadd.f32 v21, v25  }
0xf8: {  	v20 =	vadd.f32 $0.0e+00, v20;
	v6 =	vld [tilespmem:s3+$0x5C80]  }
0xf9: {  	v10 =	vld [tilespmem:s3+$0x6100];
	v15 =	vadd.f32 v15, v18;
	v19 =	vadd.f32 v30, v19  }
0xfa: {  	v16 =	vadd.f32 v16, v20;
	v9 =	vld [tilespmem:s3+$0x5D00];
	v20 =	vadd.f32 v23, v21  }
0xfb: {  	v12 =	vadd.f32 v12, v15;
	v19 =	vadd.f32 v31, v19;
	v25 =	vld [tilespmem:s3+$0x5980];
	v21 =	vpop (erf)  }
0xfc: {  	v17 =	vadd.f32 v32, v17;
	v8 =	vld [tilespmem:s3+$0x6180];
	v15 =	vadd.f32 v26, v20;
	v21 =	vmul.f32 v21, v5  }
0xfd: {  	v18 =	vld [tilespmem:s3+$0x5600];
	v14 =	vadd.f32 v14, v16;
	v16 =	vmax.f32 v19, $1.000000000e+00;
	v6 =	vadd.f32 v6, v12  }
0xfe: {  	(erf) = vrcp.f32 v16;
	v20 =	vld [tilespmem:s3+$0x5E00];
	v15 =	vadd.f32 v63, v15;
	v13 =	vadd.f32 v21, v13  }
0xff: {  	v11 =	vadd.f32 v11, v14;
	v6 =	vadd.f32 v9, v6;
	v23 =	vld [tilespmem:s3+$0x5680]  }
0x100: {  	v14 =	vadd.f32 v27, v17;
	v15 =	vadd.f32 v25, v15;
	v26 =	vmul.f32 $5.000000000e-01, v13  }
0x101: {  	v9 =	vadd.f32 v10, v11;
	v6 =	vadd.f32 v7, v6;
	v21 =	vld [tilespmem:s3+$0x6200]  }
0x102: {  	v10 =	vadd.f32 v18, v14;
	v16 =	vld [tilespmem:s3+$0x5E80];
	v11 =	vadd.f32 v24, v15;
	(erf) = vrcp.f32 v26  }
0x103: {  	v7 =	vadd.f32 v8, v9;
	v6 =	vadd.f32 v20, v6;
	v13 =	vld [tilespmem:s3+$0x6280]  }
0x104: {  	s4 =	simm.s32 $0xFFFFFFA0;
	v17 =	vld [tilespmem:s31+$0x6300];
	v10 =	vadd.f32 v23, v10;
	v11 =	vadd.f32 v22, v11  }
0x105: {  	vm1 =	vgt.f32 v19, $0.0e+00;
	v19 =	vld [tilespmem:s4+$0x5C00]  }
0x106: {  	v14 =	vld [tilespmem:s31+$0x6380];
	v15 =	vmul.f32 v10, v10;
	v7 =	vadd.f32 v21, v7;
	v20 =	vmul.f32 v11, v11  }
0x107: {  	v12 =	vld [tilespmem:s31+$0x6680];
	v9 =	vadd.f32 v16, v6;
	v6 =	vpop (erf)  }
0x108: {  	v18 =	vld [tilespmem:s31+$0x6400];
	v8 =	vadd.f32 v13, v7;
	v7 =	vmul.f32 v6, v15;
	v15 =	vmul.f32 v20, v6  }
0x109: {  	v23 =	vld [tilespmem:s31+$0x6480];
	v16 =	vadd.f32 $0.0e+00, v17  }
0x10a: {  	v25 =	vld [tilespmem:s31+$0x6600];
	v7 =	vsub.f32 v9, v7;
	v17 =	vsub.f32 v8, v15  }
0x10b: {  	v24 =	vld [tilespmem:s4+$0x5B80];
	v16 =	vadd.f32 v14, v16;
	v20 =	vpop (erf)  }
0x10c: {  	v22 =	vld [tilespmem:s31+$0x6580];
	v7 =	vmax.f32 v7, $0.0e+00;
	v5 =	vmul.f32 v20, v5;
	v20 =	vmax.f32 v17, $0.0e+00  }
0x10d: {  	v21 =	vld [tilespmem:s31+$0x6500];
	v7 =	vmul.f32 v20, v7  }
0x10e: {  	v14 =	vld [tilespmem:s4+$0x6180];
	v18 =	vadd.f32 v18, v16;
	v5 =	vadd.f32 v5, v26  }
0x10f: {  	v16 =	vld [tilespmem:s4+$0x6100];
	v7 =	vnsel vm1, $0x3F800000, v7  }
0x110: {  	v13 =	vld [tilespmem:s4+$0x5D80];
	v20 =	vadd.f32 v23, v18;
	v5 =	vmul.f32 $5.000000000e-01, v5;
	v23 =	vshra.s32 v7, $0x1  }
0x111: {  	v15 =	vld [tilespmem:s4+$0x5D00];
	v26 =	vadd.s32 $0x1FBD1DF6, v23  }
0x112: {  	v17 =	vld [tilespmem:s4+$0x5C80];
	v21 =	vadd.f32 v21, v20;
	v27 =	vadd.f32 $1.000000010e-07, v5;
	(erf) = vrcp.f32 v26  }
0x113: {  	v18 =	vld [tilespmem:s4+$0x6080]  }
0x114: {  	v20 =	vld [tilespmem:s4+$0x6000];
	v21 =	vadd.f32 v22, v21;
	(erf) = vrcp.f32 v27  }
0x115: {  	v23 =	vld [tilespmem:s4+$0x5F80]  }
0x116: {  	v22 =	vld [tilespmem:s4+$0x5480];
	v21 =	vadd.f32 v25, v21  }
0x117: {  	s5 =	simm.s32 $0xFFFFFEC0;
	vm0 =	vmmov vm0;
	v5 =	vimm.f32 $0.0e+00;
	v25 =	vld [tilespmem:s4+$0x5B00]  }
.LBB2_10:
0x118: {  	p0 =	sne.s32 s5, $0xFFFFFFC0;
	v27 =	vld [tilespmem:s4+$0x4F00];
	v12 =	vadd.f32 v12, v21;
	v21 =	vmul.f32 v4, v3;
	v3 =	vmovc v10;
	v4 =	vmov v11  }
0x119: {  	v10 =	vld [tilespmem:s4+$0x5F00]  }
0x11a: {  	v11 =	vld [tilespmem:s4+$0x4F80];
	v21 =	vmul.f32 v21, v0;
	v32 =	vadd.f32 v12, v12  }
0x11b: {  	v29 =	vld [tilespmem:s4+$0x5400];
	v30 =	vpop (erf)  }
0x11c: {  	v31 =	vld [tilespmem:s4+$0x5000];
	v30 =	vmul.f32 v30, v7;
	v12 =	vsub.f32 v12, v21;
	v21 =	vsub.f32 v2, v32;
	v2 =	vmovc v9  }
0x11d: {  	v9 =	vadd.f32 $0.0e+00, v27;
	v27 =	vld [tilespmem:s4+$0x5380];
	v28 =	vpop (erf)  }
0x11e: {  	v32 =	vld [tilespmem:s4+$0x5080];
	v26 =	vadd.f32 v26, v30;
	v21 =	vadd.f32 v21, v1;
	v12 =	vmul.f32 v28, v12;
	v1 =	vmovc v8  }
0x11f: {  	v8 =	vld [tilespmem:s4+$0x5300];
	v9 =	vadd.f32 v11, v9  }
0x120: {  	v11 =	vld [tilespmem:s4+$0x5100];
	v26 =	vmul.f32 $5.000000000e-01, v26;
	v21 =	vmul.f32 v21, v0;
	v12 =	vsub.f32 $1.000000000e+00, v12;
	v0 =	vmovc v6  }
0x121: {  	v6 =	vld [tilespmem:s4+$0x5700];
	v9 =	vadd.f32 v31, v9  }
0x122: {  	v28 =	vld [tilespmem:s4+$0x5180];
	(erf) = vrcp.f32 v26;
	v12 =	vmul.f32 v12, v21  }
0x123: {  	v21 =	vld [tilespmem:s4+$0x5780];
	v9 =	vadd.f32 v32, v9  }
0x124: {  	v25 =	vadd.f32 $0.0e+00, v25;
	v8 =	vadd.f32 $0.0e+00, v8;
	v30 =	vld [tilespmem:s4+$0x5200];
	v12 =	vnsel vm0, $0x0, v12  }
0x125: {  	vm0 =	vmmov vm1;
	v31 =	vld [tilespmem:s4+$0x5800];
	v9 =	vadd.f32 v11, v9;
	v5 =	vadd.f32 v12, v5  }
0x126: {  	v10 =	vadd.f32 $0.0e+00, v10;
	v6 =	vadd.f32 $0.0e+00, v6;
	v11 =	vld [tilespmem:s4+$0x5280]  }
0x127: {  	v8 =	vadd.f32 v27, v8;
	v12 =	vld [tilespmem:s4+$0x5880];
	v9 =	vadd.f32 v28, v9  }
0x128: {  	v6 =	vadd.f32 v21, v6;
	v21 =	vadd.f32 v24, v25;
	v24 =	vld [tilespmem:s4+$0x5500]  }
0x129: {  	v8 =	vadd.f32 v29, v8;
	v25 =	vld [tilespmem:s4+$0x5900];
	v28 =	vadd.f32 v30, v9  }
0x12a: {  	v10 =	vadd.f32 v23, v10;
	v6 =	vadd.f32 v31, v6;
	v23 =	vld [tilespmem:s4+$0x5580]  }
0x12b: {  	v8 =	vadd.f32 v22, v8;
	v22 =	vld [tilespmem:s4+$0x5980];
	v27 =	vadd.f32 v11, v28;
	v9 =	vpop (erf)  }
0x12c: {  	v11 =	vadd.f32 v19, v21;
	v6 =	vadd.f32 v12, v6;
	v12 =	vld [tilespmem:s4+$0x5600];
	v9 =	vmul.f32 v9, v7  }
0x12d: {  	v10 =	vadd.f32 v20, v10;
	v8 =	vadd.f32 v24, v8;
	v19 =	vld [tilespmem:s4+$0x5A00];
	v20 =	vmax.f32 v27, $1.000000000e+00  }
0x12e: {  	v6 =	vadd.f32 v25, v6;
	v21 =	vld [tilespmem:s4+$0x5680];
	(erf) = vrcp.f32 v20;
	v9 =	vadd.f32 v9, v26  }
0x12f: {  	v10 =	vadd.f32 v18, v10;
	v11 =	vadd.f32 v17, v11;
	v17 =	vld [tilespmem:s4+$0x5A80]  }
0x130: {  	v8 =	vadd.f32 v23, v8;
	v6 =	vadd.f32 v22, v6;
	v18 =	vld [tilespmem:s4+$0x5E00];
	v20 =	vmul.f32 $5.000000000e-01, v9  }
0x131: {  	v10 =	vadd.f32 v16, v10;
	v9 =	vadd.f32 v15, v11;
	v15 =	vld [tilespmem:s4+$0x6200]  }
0x132: {  	v8 =	vadd.f32 v12, v8;
	v6 =	vadd.f32 v19, v6;
	v16 =	vld [tilespmem:s4+$0x5E80];
	(erf) = vrcp.f32 v20  }
0x133: {  	v9 =	vadd.f32 v13, v9;
	v13 =	vadd.f32 v14, v10;
	v14 =	vld [tilespmem:s4+$0x6280]  }
0x134: {  	v10 =	vadd.f32 v21, v8;
	v11 =	vadd.f32 v17, v6;
	v17 =	vld [tilespmem:s3+$0x6300]  }
0x135: {  	v19 =	vadd.f32 v18, v9;
	v12 =	vld [tilespmem:s3+$0x6680]  }
0x136: {  	v8 =	vadd.f32 v15, v13;
	v13 =	vmul.f32 v10, v10;
	v15 =	vmul.f32 v11, v11;
	v18 =	vld [tilespmem:s3+$0x6380]  }
0x137: {  	v9 =	vadd.f32 v16, v19;
	v6 =	vpop (erf);
	v21 =	vld [tilespmem:s3+$0x6600]  }
0x138: {  	v8 =	vadd.f32 v14, v8;
	v13 =	vmul.f32 v6, v13;
	v14 =	vmul.f32 v15, v6;
	v22 =	vld [tilespmem:s3+$0x6580]  }
0x139: {  	v24 =	vadd.f32 $0.0e+00, v17;
	v16 =	vld [tilespmem:s3+$0x6400]  }
0x13a: {  	v17 =	vsub.f32 v9, v13;
	v14 =	vsub.f32 v8, v14;
	v23 =	vld [tilespmem:s3+$0x6500]  }
0x13b: {  	v18 =	vadd.f32 v18, v24;
	v19 =	vld [tilespmem:s3+$0x6480];
	v15 =	vpop (erf);
	s3 =	smov.u32 s4;
	s4 =	sshra.s32 s5, $0x2  }
0x13c: {  	v13 =	vld [tilespmem:s4+$0x5D80];
	v17 =	vmax.f32 v17, $0.0e+00;
	v24 =	vmax.f32 v14, $0.0e+00;
	v7 =	vmul.f32 v15, v7  }
0x13d: {  	v14 =	vld [tilespmem:s4+$0x6180];
	v17 =	vmul.f32 v24, v17  }
0x13e: {  	vm1 =	vgt.f32 v27, $0.0e+00;
	v15 =	vld [tilespmem:s4+$0x5D00];
	v18 =	vadd.f32 v16, v18;
	v20 =	vadd.f32 v7, v20  }
0x13f: {  	v16 =	vld [tilespmem:s4+$0x6100];
	v7 =	vnsel vm1, $0x3F800000, v17  }
0x140: {  	v17 =	vld [tilespmem:s4+$0x5C80];
	v24 =	vshra.s32 v7, $0x1;
	v25 =	vadd.f32 v19, v18;
	v20 =	vmul.f32 $5.000000000e-01, v20  }
0x141: {  	v18 =	vld [tilespmem:s4+$0x6080];
	v26 =	vadd.s32 $0x1FBD1DF6, v24  }
0x142: {  	v19 =	vld [tilespmem:s4+$0x5C00];
	(erf) = vrcp.f32 v26;
	v23 =	vadd.f32 v23, v25;
	v25 =	vadd.f32 $1.000000010e-07, v20  }
.Ltmp4:
0x143: {  	v20 =	vld [tilespmem:s4+$0x6000];
	(pc) =	sbr.rel @p0 .LBB2_10-.Ltmp4, $4  }
0x144: {  	v24 =	vld [tilespmem:s4+$0x5B80];
	v27 =	vadd.f32 v22, v23;
	(erf) = vrcp.f32 v25  }
0x145: {  	v23 =	vld [tilespmem:s4+$0x5F80]  }
0x146: {  	v22 =	vld [tilespmem:s4+$0x5480];
	v21 =	vadd.f32 v21, v27  }
0x147: {  	s5 =	sadd.s32 $0x40, s5;
	v25 =	vld [tilespmem:s4+$0x5B00]  }
0x148: {  	v27 =	vld [tilespmem:s4+$0x4F00]  }
0x149: {  	v28 =	vld [tilespmem:s4+$0x5F00]  }
0x14a: {  	v29 =	vld [tilespmem:s4+$0x4F80]  }
0x14b: {  	v30 =	vld [tilespmem:s4+$0x5400]  }
0x14c: {  	v31 =	vld [tilespmem:s4+$0x5000]  }
0x14d: {  	v33 =	vld [tilespmem:s4+$0x5080];
	v27 =	vadd.f32 $0.0e+00, v27  }
0x14e: {  	v34 =	vld [tilespmem:s4+$0x5300]  }
0x14f: {  	v51 =	vld [tilespmem:s4+$0x5100];
	v27 =	vadd.f32 v29, v27  }
0x150: {  	v36 =	vld [tilespmem:s4+$0x5700]  }
0x151: {  	v32 =	vld [tilespmem:s4+$0x5380];
	v27 =	vadd.f32 v31, v27  }
0x152: {  	v53 =	vld [tilespmem:s4+$0x5180]  }
0x153: {  	v37 =	vld [tilespmem:s4+$0x5780];
	v35 =	vpop (erf);
	v27 =	vadd.f32 v33, v27  }
0x154: {  	v54 =	vld [tilespmem:s4+$0x5200];
	v52 =	vmul.f32 v35, v7;
	v25 =	vadd.f32 $0.0e+00, v25;
	v55 =	vadd.f32 $0.0e+00, v34  }
0x155: {  	v56 =	vld [tilespmem:s4+$0x5800];
	v57 =	vadd.f32 $0.0e+00, v36;
	v27 =	vadd.f32 v51, v27  }
0x156: {  	v58 =	vld [tilespmem:s4+$0x5280];
	v28 =	vadd.f32 $0.0e+00, v28;
	v26 =	vadd.f32 v26, v52  }
0x157: {  	v59 =	vld [tilespmem:s4+$0x5880];
	v24 =	vadd.f32 v24, v25;
	v27 =	vadd.f32 v53, v27  }
0x158: {  	v60 =	vld [tilespmem:s4+$0x5500];
	v32 =	vadd.f32 v32, v55;
	v29 =	vadd.f32 v37, v57  }
0x159: {  	v61 =	vld [tilespmem:s4+$0x5900];
	v23 =	vadd.f32 v23, v28;
	v27 =	vadd.f32 v54, v27  }
0x15a: {  	v62 =	vld [tilespmem:s4+$0x5580];
	v30 =	vadd.f32 v30, v32;
	v29 =	vadd.f32 v56, v29  }
0x15b: {  	v63 =	vld [tilespmem:s4+$0x5980];
	v26 =	vmul.f32 $5.000000000e-01, v26;
	v19 =	vadd.f32 v19, v24;
	v27 =	vadd.f32 v58, v27  }
0x15c: {  	v35 =	vld [tilespmem:s4+$0x5A00];
	v22 =	vadd.f32 v22, v30;
	v29 =	vadd.f32 v59, v29  }
0x15d: {  	v34 =	vld [tilespmem:s4+$0x5600];
	v20 =	vadd.f32 v20, v23;
	(erf) = vrcp.f32 v26;
	v36 =	vmax.f32 v27, $1.000000000e+00  }
0x15e: {  	v38 =	vld [tilespmem:s4+$0x5680];
	v22 =	vadd.f32 v60, v22;
	v37 =	vadd.f32 v61, v29;
	(erf) = vrcp.f32 v36  }
0x15f: {  	v39 =	vld [tilespmem:s4+$0x5A80];
	v17 =	vadd.f32 v17, v19;
	v18 =	vadd.f32 v18, v20  }
0x160: {  	v42 =	vld [tilespmem:s4+$0x5E00];
	v40 =	vadd.f32 v62, v22;
	v41 =	vadd.f32 v63, v37  }
0x161: {  	v43 =	vld [tilespmem:s4+$0x6200];
	v15 =	vadd.f32 v15, v17;
	v16 =	vadd.f32 v16, v18  }
0x162: {  	v46 =	vld [tilespmem:s4+$0x5E80];
	v44 =	vadd.f32 v34, v40;
	v45 =	vadd.f32 v35, v41  }
0x163: {  	v47 =	vld [tilespmem:s4+$0x6280];
	v13 =	vadd.f32 v13, v15;
	v14 =	vadd.f32 v14, v16  }
0x164: {  	v16 =	vadd.f32 v38, v44;
	v18 =	vadd.f32 v39, v45  }
0x165: {  	v19 =	vpop (erf);
	v13 =	vadd.f32 v42, v13  }
0x166: {  	v14 =	vadd.f32 v43, v14;
	v48 =	vpop (erf);
	v49 =	vmul.f32 v16, v16;
	v50 =	vmul.f32 v18, v18  }
0x167: {  	v13 =	vadd.f32 v46, v13;
	v22 =	vpop (erf)  }
0x168: {  	v14 =	vadd.f32 v47, v14;
	v51 =	vmul.f32 v22, v49;
	v52 =	vmul.f32 v50, v22  }
0x169: {  	v20 =	vmul.f32 v48, v7  }
0x16a: {  	v15 =	vsub.f32 v13, v51;
	v17 =	vsub.f32 v14, v52  }
0x16b: {  	v20 =	vadd.f32 v20, v26  }
0x16c: {  	v15 =	vmax.f32 v15, $0.0e+00;
	v17 =	vmax.f32 v17, $0.0e+00  }
0x16d: {  	v20 =	vmul.f32 $5.000000000e-01, v20;
	v15 =	vmul.f32 v17, v15  }
0x16e: {  	vm2 =	vgt.f32 v27, $0.0e+00  }
0x16f: {  	(erf) = vrcp.f32 v20;
	v15 =	vnsel vm2, $0x3F800000, v15  }
0x170: {  	v53 =	vshra.s32 v15, $0x1  }
0x171: {  	v17 =	vadd.s32 $0x1FBD1DF6, v53  }
0x172: {  	(erf) = vrcp.f32 v17;
	_ =	sdelay $0x5  }
0x173: {  	v54 =	vpop (erf)  }
0x174: {  	v55 =	vmul.f32 v54, v7;
	_ =	sdelay $0x1  }
0x175: {  	v7 =	vadd.f32 v55, v20;
	v56 =	vpop (erf)  }
0x176: {  	v20 =	vmul.f32 v56, v15  }
0x177: {  	v7 =	vmul.f32 $5.000000000e-01, v7  }
0x178: {  	v17 =	vadd.f32 v17, v20  }
0x179: {  	v7 =	vadd.f32 $1.000000010e-07, v7  }
0x17a: {  	v17 =	vmul.f32 $5.000000000e-01, v17  }
0x17b: {  	(erf) = vrcp.f32 v7  }
0x17c: {  	(erf) = vrcp.f32 v17;
	_ =	sdelay $0x7  }
0x17d: {  	v7 =	vpop (erf)  }
0x17e: {  	v57 =	vpop (erf)  }
0x17f: {  	v20 =	vmul.f32 v57, v15;
	_ =	sdelay $0x1  }
0x180: {  	v17 =	vadd.f32 v20, v17;
	_ =	sdelay $0x1  }
0x181: {  	v17 =	vmul.f32 $5.000000000e-01, v17;
	_ =	sdelay $0x1  }
0x182: {  	(erf) = vrcp.f32 v17  }
0x183: {  	v58 =	vld [tilespmem:s3+$0x6300]  }
0x184: {  	v60 =	vld [tilespmem:s4+$0x6300]  }
0x185: {  	v59 =	vld [tilespmem:s3+$0x6380]  }
0x186: {  	v62 =	vld [tilespmem:s4+$0x6380]  }
0x187: {  	v61 =	vld [tilespmem:s3+$0x6400]  }
0x188: {  	v33 =	vld [tilespmem:s4+$0x6400];
	v20 =	vadd.f32 $0.0e+00, v58  }
0x189: {  	v63 =	vld [tilespmem:s3+$0x6480];
	v24 =	vadd.f32 $0.0e+00, v60  }
0x18a: {  	v35 =	vld [tilespmem:s4+$0x6480];
	v20 =	vadd.f32 v59, v20  }
0x18b: {  	v34 =	vld [tilespmem:s3+$0x6500];
	v24 =	vadd.f32 v62, v24;
	v36 =	vpop (erf)  }
0x18c: {  	v38 =	vld [tilespmem:s4+$0x6500];
	v20 =	vadd.f32 v61, v20;
	v15 =	vmul.f32 v36, v15  }
0x18d: {  	v37 =	vld [tilespmem:s3+$0x6580];
	v23 =	vadd.f32 v33, v24  }
0x18e: {  	v41 =	vld [tilespmem:s4+$0x6580];
	v20 =	vadd.f32 v63, v20;
	v15 =	vadd.f32 v15, v17  }
0x18f: {  	v39 =	vld [tilespmem:s3+$0x6600];
	v23 =	vadd.f32 v35, v23  }
0x190: {  	v43 =	vld [tilespmem:s4+$0x6600];
	v40 =	vadd.f32 v34, v20;
	v15 =	vmul.f32 $5.000000000e-01, v15  }
0x191: {  	v42 =	vld [tilespmem:s3+$0x6680];
	v44 =	vadd.f32 v38, v23  }
0x192: {  	v3 =	vmul.f32 v4, v3;
	v45 =	vld [tilespmem:s4+$0x6680];
	v17 =	vadd.f32 v37, v40;
	v15 =	vadd.f32 $1.000000010e-07, v15  }
0x193: {  	v12 =	vadd.f32 v12, v21;
	v4 =	vadd.f32 v41, v44  }
0x194: {  	v3 =	vmul.f32 v3, v0;
	v17 =	vadd.f32 v39, v17;
	(erf) = vrcp.f32 v15  }
0x195: {  	v46 =	vadd.f32 v12, v12;
	v4 =	vadd.f32 v43, v4  }
0x196: {  	v10 =	vmul.f32 v11, v10;
	v3 =	vsub.f32 v12, v3;
	v17 =	vadd.f32 v42, v17  }
0x197: {  	v2 =	vsub.f32 v2, v46;
	v4 =	vadd.f32 v45, v4  }
0x198: {  	v10 =	vmul.f32 v10, v6;
	v48 =	vmul.f32 v18, v16;
	v47 =	vadd.f32 v17, v17  }
0x199: {  	v1 =	vadd.f32 v2, v1;
	v49 =	vmul.f32 v19, v3;
	v53 =	vadd.f32 v4, v4  }
0x19a: {  	v52 =	vmul.f32 v48, v22;
	v51 =	vsub.f32 v17, v10;
	v50 =	vsub.f32 v9, v47  }
0x19b: {  	v54 =	vmul.f32 v1, v0;
	v55 =	vsub.f32 $1.000000000e+00, v49;
	v58 =	vsub.f32 v13, v53  }
0x19c: {  	v4 =	vsub.f32 v4, v52;
	v57 =	vmul.f32 v7, v51;
	v56 =	vadd.f32 v50, v8  }
0x19d: {  	v0 =	vmul.f32 v55, v54;
	v61 =	vadd.f32 v58, v14;
	v60 =	vpop (erf)  }
0x19e: {  	v3 =	vsub.f32 $1.000000000e+00, v57;
	v59 =	vmul.f32 v56, v6;
	v2 =	vmul.f32 v60, v4  }
0x19f: {  	v0 =	vnsel vm0, $0x0, v0  }
0x1a0: {  	v62 =	vmul.f32 v61, v22;
	v1 =	vmul.f32 v3, v59;
	v2 =	vsub.f32 $1.000000000e+00, v2  }
0x1a1: {  	vm14 =	vmmov vm1;
	v0 =	vadd.f32 v0, v5  }
0x1a2: {  	v1 =	vnsel vm14, $0x0, v1;
	v2 =	vmul.f32 v2, v62  }
0x1a3: {  	vm15 =	vmmov vm2;
	v0 =	vadd.f32 v1, v0  }
0x1a4: {  	v63 =	vnsel vm15, $0x0, v2  }
0x1a5: {  	v0 =	vadd.f32 v63, v0;
	_ =	sdelay $0x1  }
0x1a6: {  	(xrf2) =	vadd.scan.msk.f32 $0xffff, v0;
	_ =	sdelay $0x9  }
0x1a7: {  	v0, _, _ =	vpop (xrf2)  }
0x1a8: {  	v0 =	vbroadcast v0, $0xF  }
0x1a9: {  	s29 =	simm.s32 $0x0  }
.Ltmp5:
0x1aa: {  	s30 =	simm.s32 $0x6680;
	s31 =	simm.s32 $0x5;
	[tilespmem:$0x6680] =	vst v0;
	(pc) =	sbr.rel .LBB2_12-.Ltmp5, $4  }
0x1ab: {  	[hbm4b:s2+s29] =	stream.linear.scatter [tilespmem:s30], [sflag:$0x5], $0x80, $0x38;
	[tilespmem:$0x6A00] =	vst v63  }
0x1ac: {  	_ =	swait.ge [sflag:s31], $0x80  }
0x1ad: {  	[sflag:s31] =	ssyncset.done $0x0  }
0x1ae: {  	[sflag:s31] =	ssyncadd.s32 $0xFFFFFF80  }
.LBB2_5:
0x1af: {  	[bflag:$0x0] =	sbarrier.arrive $0xFFFF  }
.LBB2_12:
0x1b0: {  	_ =	sfence.sel $0x180000  }
0x1b1: {  	[bflag:$0x0] =	sbarrier.arrive $0xFFFF  }
0x1b2: {  	p0 =	sne.s32 s1, $0x0;
	_ =	strace $0x90000047  }
0x1b3: {  	s0 =	sadd.s32 @!p0 $0x100000, s0;
	[bflag:$0x2] =	sbarrier.arrive $0xFFFF  }
0x1b4: {  	[sflag:s0] =	ssyncadd.tile.s32 @!p0 $0x1;
	_ =	shalt  }
.Lfunc_end2:
_tile_overlayer_lowered:
.L_overlay_start_2:
0x1b5: {  	(tag) =	ssettag $0x2  }
0x1b6: {  	s0 =	rddreg [dreg:$0x0];
	s2 =	stileid.u32  }
0x1b7: {  	s1 =	rddreg [dreg:$0x1];
	p0 =	sne.s32 s2, $0x0  }
0x1b8: {  	s3 =	rddreg [dreg:$0x2];
	[bflag:$0x3] =	sbarrier.arrive $0xFFFF;
	s2 =	simm.s32 @!p0 $0x1C05  }
0x1b9: {  	[timem:s3], [sflag:s2] =	dma.local @!p0 [hbm:s0], s1  }
0x1ba: {  	s0 =	simm.s32 @!p0 $0x5  }
0x1bb: {  	_ =	swait.ge @!p0 [sflag:s0], s1  }
0x1bc: {  	s1 =	ssub.s32 @!p0 $0x0, s1;
	[sflag:s0] =	ssyncset.done @!p0 $0x0  }
0x1bd: {  	[sflag:s0] =	ssyncadd.s32 @!p0 s1  }
0x1be: {  	[bflag:$0x3] =	sbarrier.arrive $0xFFFF  }
0x1bf: {  	_ =	shalt  }

</sc_bundles>
